<compile_context>
chip_gen: v7x
topology: tpu7x:2x2x1
jax: 0.10.2.dev20260603
libtpu: 0.0.44.dev20260713+nightly
codegen_flags: <defaults>
</compile_context>

<pallas_src>
import functools

import jax
import jax.numpy as jnp
from jax import lax
from jax.experimental import pallas as pl
from jax.experimental.pallas import tpu as pltpu
from jax.experimental.pallas import tpu_sc as plsc

_NC = 2
_NS = 16
_NW = _NC * _NS
_L = 16

_F = 100
_B = 16384
_COLS_W = _B // _NW
_CHUNK = 128
_NCH = _COLS_W // _CHUNK
_VPC = _CHUNK // _L


def _sc_body(x_hbm, w_hbm, out_hbm, x0, x1, o0, o1, w_v, si0, si1, so0, so1):
    wid = lax.axis_index("s") * _NC + lax.axis_index("c")
    c0 = wid * _COLS_W

    pltpu.sync_copy(w_hbm, w_v)
    w = w_v[...]
    e = jnp.exp(w + w)
    lut = (e - 1.0) / (e + 1.0)

    xb, ob = (x0, x1), (o0, o1)
    sin, sout = (si0, si1), (so0, so1)

    def compute(x_v, o_v):
        def row_step(r, carry):
            for v in range(_VPC):
                idx = x_v[r, pl.ds(v * _L, _L)]
                o_v[r, pl.ds(v * _L, _L)] = lut.at[idx].get(
                    mode="promise_in_bounds")
            return carry

        lax.fori_loop(0, _F, row_step, 0)

    in_d = [None] * _NCH
    out_d = [None] * _NCH
    in_d[0] = pltpu.async_copy(x_hbm.at[:, pl.ds(c0, _CHUNK)], x0, si0)
    in_d[1] = pltpu.async_copy(x_hbm.at[:, pl.ds(c0 + _CHUNK, _CHUNK)], x1, si1)
    for k in range(_NCH):
        s = k & 1
        in_d[k].wait()
        if k >= 2:
            out_d[k - 2].wait()
        compute(xb[s], ob[s])
        out_d[k] = pltpu.async_copy(
            ob[s], out_hbm.at[:, pl.ds(c0 + k * _CHUNK, _CHUNK)], sout[s])
        if k + 2 < _NCH:
            in_d[k + 2] = pltpu.async_copy(
                x_hbm.at[:, pl.ds(c0 + (k + 2) * _CHUNK, _CHUNK)], xb[s], sin[s])
    out_d[_NCH - 2].wait()
    out_d[_NCH - 1].wait()


@functools.partial(jax.jit, static_argnames=())
def _run(xt, w_pad):
    mesh = plsc.VectorSubcoreMesh(core_axis_name="c", subcore_axis_name="s")
    f = pl.kernel(
        _sc_body,
        out_type=jax.ShapeDtypeStruct((_F, _B), jnp.float32),
        mesh=mesh,
        scratch_types=[
            pltpu.VMEM((_F, _CHUNK), jnp.int32),
            pltpu.VMEM((_F, _CHUNK), jnp.int32),
            pltpu.VMEM((_F, _CHUNK), jnp.float32),
            pltpu.VMEM((_F, _CHUNK), jnp.float32),
            pltpu.VMEM((_L,), jnp.float32),
            pltpu.SemaphoreType.DMA,
            pltpu.SemaphoreType.DMA,
            pltpu.SemaphoreType.DMA,
            pltpu.SemaphoreType.DMA,
        ],
    )
    return f(xt, w_pad)


def kernel(x, data_bias_weight):
    xt = x.T
    w_pad = jnp.pad(data_bias_weight.reshape(3), (0, _L - 3))
    yt = _run(xt, w_pad)
    return yt.T.reshape(_B, _F, 1)

# --- scband reference (transcript-rebuilt; emitter-appended) ---
"""Pipeline reference for scband-imputation-network-39960375722814 (READ-ONLY COPY).

The authoritative reference and input builder live on the scoring server;
editing this copy changes nothing except your own understanding.
"""

import jax, jax.numpy as jnp
import numpy as np


def setup_inputs(seed: int = 0) -> dict:
    key = jax.random.key(seed)
    k1, k2 = jax.random.split(key)
    x = jax.random.randint(k1, (16384, 100), 0, 3, dtype=jnp.int64 if jax.config.jax_enable_x64 else jnp.int32).astype(jnp.int32)
    # nn.Embedding(3, 1) weight, N(0,1) init like torch default
    data_bias_weight = jax.random.normal(k2, (3, 1), dtype=jnp.float32)
    return {"x": x, "data_bias_weight": data_bias_weight}


def reference(x, data_bias_weight):
    # embedding lookup: gather rows of the table
    output = jnp.take(data_bias_weight, x, axis=0)  # [B, F, 1]
    return jnp.tanh(output)

if __name__ == "__main__":
    import jax
    _d = setup_inputs()
    print(jax.jit(kernel)(*tuple(_d.values())))

</pallas_src>

<mosaic_0001>
#map = affine_map<(d0, d1) -> (0, 0)>
#map1 = affine_map<(d0, d1) -> (0)>
module attributes {stable_mosaic.version = 14 : i64} {
  func.func @_sc_body(%arg0: i32, %arg1: i32, %arg2: memref<100x16384xi32, #tpu.memory_space<hbm>>, %arg3: memref<16xf32, #tpu.memory_space<hbm>>, %arg4: memref<100x16384xf32, #tpu.memory_space<hbm>>, %arg5: memref<100x128xi32, #tpu.memory_space<vmem>>, %arg6: memref<100x128xi32, #tpu.memory_space<vmem>>, %arg7: memref<100x128xf32, #tpu.memory_space<vmem>>, %arg8: memref<100x128xf32, #tpu.memory_space<vmem>>, %arg9: memref<16xf32, #tpu.memory_space<vmem>>, %arg10: memref<!tpu.dma_semaphore, #tpu.memory_space<semaphore_mem>>, %arg11: memref<!tpu.dma_semaphore, #tpu.memory_space<semaphore_mem>>, %arg12: memref<!tpu.dma_semaphore, #tpu.memory_space<semaphore_mem>>, %arg13: memref<!tpu.dma_semaphore, #tpu.memory_space<semaphore_mem>>) attributes {dimension_semantics = [#tpu.dimension_semantics<core_parallel>, #tpu.dimension_semantics<subcore_parallel>], iteration_bounds = array<i64: 2, 16>, scalar_prefetch = 0 : i64, scratch_operands = 9 : i64, tpu.core_type = #tpu.core_type<sc_vector_subcore>, window_params = [{transform_indices = #map}, {transform_indices = #map1}, {transform_indices = #map}]} {
    %mul3A = arith.constant 2 : i32
    %mul3A_0 = arith.muli %arg1, %mul3A : i32
    %add3A = arith.addi %mul3A_0, %arg0 : i32
    %mul3A_1 = arith.constant 512 : i32
    %mul3A_2 = arith.muli %add3A, %mul3A_1 : i32
    "tpu.region"() ({
      %run_scoped3A = tpu.sem_alloc : memref<!tpu.dma_semaphore, #tpu.memory_space<semaphore_mem>>
      tpu.enqueue_dma source(%arg3 : memref<16xf32, #tpu.memory_space<hbm>>) target(%arg9 : memref<16xf32, #tpu.memory_space<vmem>>) target_semaphore(%run_scoped3A : memref<!tpu.dma_semaphore, #tpu.memory_space<semaphore_mem>>)
      tpu.wait_dma2 semaphore(%run_scoped3A : memref<!tpu.dma_semaphore, #tpu.memory_space<semaphore_mem>>) src(%arg3 : memref<16xf32, #tpu.memory_space<hbm>>) dst(%arg9 : memref<16xf32, #tpu.memory_space<vmem>>)
      tpu.yield
    }) : () -> ()
    %get3A = arith.constant 0 : index
    %get3A_3 = tpu.vector_load %arg9[%get3A] {strides = array<i32>} : memref<16xf32, #tpu.memory_space<vmem>>, vector<16xf32>,
    %get3A_4 = vector.shape_cast %get3A_3 : vector<16xf32> to vector<16xf32>
    %add3A_5 = arith.addf %get3A_4, %get3A_4 : vector<16xf32>
    %exp3A = math.exp %add3A_5 : vector<16xf32>
    %sub3A = arith.constant 1.000000e+00 : f32
    %sub3A_6 = vector.broadcast %sub3A : f32 to vector<16xf32>
    %sub3A_7 = arith.subf %exp3A, %sub3A_6 : vector<16xf32>
    %add3A_8 = arith.constant 1.000000e+00 : f32
    %add3A_9 = vector.broadcast %add3A_8 : f32 to vector<16xf32>
    %add3A_10 = arith.addf %exp3A, %add3A_9 : vector<16xf32>
    %div3A = arith.divf %sub3A_7, %add3A_10 : vector<16xf32>
    %dma_start3A = arith.constant 0 : i32
    %dma_start3A_11 = tpu.memref_slice %arg2[%dma_start3A, %mul3A_2] : memref<100x16384xi32, #tpu.memory_space<hbm>> -> memref<100x128xi32, #tpu.memory_space<hbm>>
    %dma_start3A_12 = arith.constant 0 : i32
    %dma_start3A_13 = tpu.memref_slice %arg2[%dma_start3A_12, %mul3A_2] : memref<100x16384xi32, #tpu.memory_space<hbm>> -> memref<100x128xi32, #tpu.memory_space<hbm>>
    tpu.enqueue_dma source(%dma_start3A_13 : memref<100x128xi32, #tpu.memory_space<hbm>>) target(%arg5 : memref<100x128xi32, #tpu.memory_space<vmem>>) target_semaphore(%arg10 : memref<!tpu.dma_semaphore, #tpu.memory_space<semaphore_mem>>)
    %add3A_14 = arith.constant 128 : i32
    %add3A_15 = arith.addi %mul3A_2, %add3A_14 : i32
    %dma_start3A_16 = arith.constant 0 : i32
    %dma_start3A_17 = tpu.memref_slice %arg2[%dma_start3A_16, %add3A_15] : memref<100x16384xi32, #tpu.memory_space<hbm>> -> memref<100x128xi32, #tpu.memory_space<hbm>>
    %dma_start3A_18 = arith.constant 0 : i32
    %dma_start3A_19 = tpu.memref_slice %arg2[%dma_start3A_18, %add3A_15] : memref<100x16384xi32, #tpu.memory_space<hbm>> -> memref<100x128xi32, #tpu.memory_space<hbm>>
    tpu.enqueue_dma source(%dma_start3A_19 : memref<100x128xi32, #tpu.memory_space<hbm>>) target(%arg6 : memref<100x128xi32, #tpu.memory_space<vmem>>) target_semaphore(%arg11 : memref<!tpu.dma_semaphore, #tpu.memory_space<semaphore_mem>>)
    %dma_wait3A = arith.constant 0 : i32
    %dma_wait3A_20 = tpu.memref_slice %arg2[%dma_wait3A, %mul3A_2] : memref<100x16384xi32, #tpu.memory_space<hbm>> -> memref<100x128xi32, #tpu.memory_space<hbm>>
    %dma_wait3A_21 = arith.constant 0 : i32
    %dma_wait3A_22 = tpu.memref_slice %arg2[%dma_wait3A_21, %mul3A_2] : memref<100x16384xi32, #tpu.memory_space<hbm>> -> memref<100x128xi32, #tpu.memory_space<hbm>>
    tpu.wait_dma2 semaphore(%arg10 : memref<!tpu.dma_semaphore, #tpu.memory_space<semaphore_mem>>) src(%dma_wait3A_22 : memref<100x128xi32, #tpu.memory_space<hbm>>) dst(%arg5 : memref<100x128xi32, #tpu.memory_space<vmem>>)
    %scan3A = arith.constant 0 : i32
    %scan3A_23 = arith.constant 0 : i32
    %scan3A_24 = arith.constant 100 : i32
    %scan3A_25 = arith.addi %scan3A_23, %scan3A_24 : i32
    %scan3A_26 = arith.constant 1 : i32
    scf.for %scan3A_110 = %scan3A_23 to %scan3A_25 step %scan3A_26  : i32 {
      %get3A_111 = arith.index_cast %scan3A_110 : i32 to index
      %get3A_112 = arith.constant 0 : index
      %get3A_113 = tpu.vector_load %arg5[%get3A_111, %get3A_112] {strides = array<i32>} : memref<100x128xi32, #tpu.memory_space<vmem>>, vector<1x16xi32>,
      %get3A_114 = vector.shape_cast %get3A_113 : vector<1x16xi32> to vector<16xi32>
      %lt3A = arith.constant 0 : i32
      %lt3A_115 = vector.broadcast %lt3A : i32 to vector<16xi32>
      %lt3A_116 = arith.cmpi slt, %get3A_114, %lt3A_115 : vector<16xi32>
      %add3A_117 = arith.constant 16 : i32
      %add3A_118 = vector.broadcast %add3A_117 : i32 to vector<16xi32>
      %add3A_119 = arith.addi %get3A_114, %add3A_118 : vector<16xi32>
      %select_n3A = arith.select %lt3A_116, %add3A_119, %get3A_114 : vector<16xi1>, vector<16xi32>
      %broadcast_in_dim3A = vector.shape_cast %select_n3A : vector<16xi32> to vector<16x1xi32>
      %gather3A = vector.shape_cast %broadcast_in_dim3A : vector<16x1xi32> to vector<16xi32>
      %gather3A_120 = tpu.dynamic_gather %div3A[%gather3A] in [0] : vector<16xf32>, vector<16xi32> -> vector<16xf32>
      %swap3A = arith.index_cast %scan3A_110 : i32 to index
      %swap3A_121 = arith.constant 0 : index
      %swap3A_122 = tpu.vector_load %arg7[%swap3A, %swap3A_121] {strides = array<i32>} : memref<100x128xf32, #tpu.memory_space<vmem>>, vector<1x16xf32>,
      %swap3A_123 = vector.shape_cast %swap3A_122 : vector<1x16xf32> to vector<16xf32>
      %swap3A_124 = vector.shape_cast %gather3A_120 : vector<16xf32> to vector<1x16xf32>
      tpu.vector_store %arg7[%swap3A, %swap3A_121], %swap3A_124 {strides = array<i32>} : memref<100x128xf32, #tpu.memory_space<vmem>>, vector<1x16xf32>,
      %get3A_125 = arith.index_cast %scan3A_110 : i32 to index
      %get3A_126 = arith.constant 16 : index
      %get3A_127 = tpu.vector_load %arg5[%get3A_125, %get3A_126] {strides = array<i32>} : memref<100x128xi32, #tpu.memory_space<vmem>>, vector<1x16xi32>,
      %get3A_128 = vector.shape_cast %get3A_127 : vector<1x16xi32> to vector<16xi32>
      %lt3A_129 = arith.constant 0 : i32
      %lt3A_130 = vector.broadcast %lt3A_129 : i32 to vector<16xi32>
      %lt3A_131 = arith.cmpi slt, %get3A_128, %lt3A_130 : vector<16xi32>
      %add3A_132 = arith.constant 16 : i32
      %add3A_133 = vector.broadcast %add3A_132 : i32 to vector<16xi32>
      %add3A_134 = arith.addi %get3A_128, %add3A_133 : vector<16xi32>
      %select_n3A_135 = arith.select %lt3A_131, %add3A_134, %get3A_128 : vector<16xi1>, vector<16xi32>
      %broadcast_in_dim3A_136 = vector.shape_cast %select_n3A_135 : vector<16xi32> to vector<16x1xi32>
      %gather3A_137 = vector.shape_cast %broadcast_in_dim3A_136 : vector<16x1xi32> to vector<16xi32>
      %gather3A_138 = tpu.dynamic_gather %div3A[%gather3A_137] in [0] : vector<16xf32>, vector<16xi32> -> vector<16xf32>
      %swap3A_139 = arith.index_cast %scan3A_110 : i32 to index
      %swap3A_140 = arith.constant 16 : index
      %swap3A_141 = tpu.vector_load %arg7[%swap3A_139, %swap3A_140] {strides = array<i32>} : memref<100x128xf32, #tpu.memory_space<vmem>>, vector<1x16xf32>,
      %swap3A_142 = vector.shape_cast %swap3A_141 : vector<1x16xf32> to vector<16xf32>
      %swap3A_143 = vector.shape_cast %gather3A_138 : vector<16xf32> to vector<1x16xf32>
      tpu.vector_store %arg7[%swap3A_139, %swap3A_140], %swap3A_143 {strides = array<i32>} : memref<100x128xf32, #tpu.memory_space<vmem>>, vector<1x16xf32>,
      %get3A_144 = arith.index_cast %scan3A_110 : i32 to index
      %get3A_145 = arith.constant 32 : index
      %get3A_146 = tpu.vector_load %arg5[%get3A_144, %get3A_145] {strides = array<i32>} : memref<100x128xi32, #tpu.memory_space<vmem>>, vector<1x16xi32>,
      %get3A_147 = vector.shape_cast %get3A_146 : vector<1x16xi32> to vector<16xi32>
      %lt3A_148 = arith.constant 0 : i32
      %lt3A_149 = vector.broadcast %lt3A_148 : i32 to vector<16xi32>
      %lt3A_150 = arith.cmpi slt, %get3A_147, %lt3A_149 : vector<16xi32>
      %add3A_151 = arith.constant 16 : i32
      %add3A_152 = vector.broadcast %add3A_151 : i32 to vector<16xi32>
      %add3A_153 = arith.addi %get3A_147, %add3A_152 : vector<16xi32>
      %select_n3A_154 = arith.select %lt3A_150, %add3A_153, %get3A_147 : vector<16xi1>, vector<16xi32>
      %broadcast_in_dim3A_155 = vector.shape_cast %select_n3A_154 : vector<16xi32> to vector<16x1xi32>
      %gather3A_156 = vector.shape_cast %broadcast_in_dim3A_155 : vector<16x1xi32> to vector<16xi32>
      %gather3A_157 = tpu.dynamic_gather %div3A[%gather3A_156] in [0] : vector<16xf32>, vector<16xi32> -> vector<16xf32>
      %swap3A_158 = arith.index_cast %scan3A_110 : i32 to index
      %swap3A_159 = arith.constant 32 : index
      %swap3A_160 = tpu.vector_load %arg7[%swap3A_158, %swap3A_159] {strides = array<i32>} : memref<100x128xf32, #tpu.memory_space<vmem>>, vector<1x16xf32>,
      %swap3A_161 = vector.shape_cast %swap3A_160 : vector<1x16xf32> to vector<16xf32>
      %swap3A_162 = vector.shape_cast %gather3A_157 : vector<16xf32> to vector<1x16xf32>
      tpu.vector_store %arg7[%swap3A_158, %swap3A_159], %swap3A_162 {strides = array<i32>} : memref<100x128xf32, #tpu.memory_space<vmem>>, vector<1x16xf32>,
      %get3A_163 = arith.index_cast %scan3A_110 : i32 to index
      %get3A_164 = arith.constant 48 : index
      %get3A_165 = tpu.vector_load %arg5[%get3A_163, %get3A_164] {strides = array<i32>} : memref<100x128xi32, #tpu.memory_space<vmem>>, vector<1x16xi32>,
      %get3A_166 = vector.shape_cast %get3A_165 : vector<1x16xi32> to vector<16xi32>
      %lt3A_167 = arith.constant 0 : i32
      %lt3A_168 = vector.broadcast %lt3A_167 : i32 to vector<16xi32>
      %lt3A_169 = arith.cmpi slt, %get3A_166, %lt3A_168 : vector<16xi32>
      %add3A_170 = arith.constant 16 : i32
      %add3A_171 = vector.broadcast %add3A_170 : i32 to vector<16xi32>
      %add3A_172 = arith.addi %get3A_166, %add3A_171 : vector<16xi32>
      %select_n3A_173 = arith.select %lt3A_169, %add3A_172, %get3A_166 : vector<16xi1>, vector<16xi32>
      %broadcast_in_dim3A_174 = vector.shape_cast %select_n3A_173 : vector<16xi32> to vector<16x1xi32>
      %gather3A_175 = vector.shape_cast %broadcast_in_dim3A_174 : vector<16x1xi32> to vector<16xi32>
      %gather3A_176 = tpu.dynamic_gather %div3A[%gather3A_175] in [0] : vector<16xf32>, vector<16xi32> -> vector<16xf32>
      %swap3A_177 = arith.index_cast %scan3A_110 : i32 to index
      %swap3A_178 = arith.constant 48 : index
      %swap3A_179 = tpu.vector_load %arg7[%swap3A_177, %swap3A_178] {strides = array<i32>} : memref<100x128xf32, #tpu.memory_space<vmem>>, vector<1x16xf32>,
      %swap3A_180 = vector.shape_cast %swap3A_179 : vector<1x16xf32> to vector<16xf32>
      %swap3A_181 = vector.shape_cast %gather3A_176 : vector<16xf32> to vector<1x16xf32>
      tpu.vector_store %arg7[%swap3A_177, %swap3A_178], %swap3A_181 {strides = array<i32>} : memref<100x128xf32, #tpu.memory_space<vmem>>, vector<1x16xf32>,
      %get3A_182 = arith.index_cast %scan3A_110 : i32 to index
      %get3A_183 = arith.constant 64 : index
      %get3A_184 = tpu.vector_load %arg5[%get3A_182, %get3A_183] {strides = array<i32>} : memref<100x128xi32, #tpu.memory_space<vmem>>, vector<1x16xi32>,
      %get3A_185 = vector.shape_cast %get3A_184 : vector<1x16xi32> to vector<16xi32>
      %lt3A_186 = arith.constant 0 : i32
      %lt3A_187 = vector.broadcast %lt3A_186 : i32 to vector<16xi32>
      %lt3A_188 = arith.cmpi slt, %get3A_185, %lt3A_187 : vector<16xi32>
      %add3A_189 = arith.constant 16 : i32
      %add3A_190 = vector.broadcast %add3A_189 : i32 to vector<16xi32>
      %add3A_191 = arith.addi %get3A_185, %add3A_190 : vector<16xi32>
      %select_n3A_192 = arith.select %lt3A_188, %add3A_191, %get3A_185 : vector<16xi1>, vector<16xi32>
      %broadcast_in_dim3A_193 = vector.shape_cast %select_n3A_192 : vector<16xi32> to vector<16x1xi32>
      %gather3A_194 = vector.shape_cast %broadcast_in_dim3A_193 : vector<16x1xi32> to vector<16xi32>
      %gather3A_195 = tpu.dynamic_gather %div3A[%gather3A_194] in [0] : vector<16xf32>, vector<16xi32> -> vector<16xf32>
      %swap3A_196 = arith.index_cast %scan3A_110 : i32 to index
      %swap3A_197 = arith.constant 64 : index
      %swap3A_198 = tpu.vector_load %arg7[%swap3A_196, %swap3A_197] {strides = array<i32>} : memref<100x128xf32, #tpu.memory_space<vmem>>, vector<1x16xf32>,
      %swap3A_199 = vector.shape_cast %swap3A_198 : vector<1x16xf32> to vector<16xf32>
      %swap3A_200 = vector.shape_cast %gather3A_195 : vector<16xf32> to vector<1x16xf32>
      tpu.vector_store %arg7[%swap3A_196, %swap3A_197], %swap3A_200 {strides = array<i32>} : memref<100x128xf32, #tpu.memory_space<vmem>>, vector<1x16xf32>,
      %get3A_201 = arith.index_cast %scan3A_110 : i32 to index
      %get3A_202 = arith.constant 80 : index
      %get3A_203 = tpu.vector_load %arg5[%get3A_201, %get3A_202] {strides = array<i32>} : memref<100x128xi32, #tpu.memory_space<vmem>>, vector<1x16xi32>,
      %get3A_204 = vector.shape_cast %get3A_203 : vector<1x16xi32> to vector<16xi32>
      %lt3A_205 = arith.constant 0 : i32
      %lt3A_206 = vector.broadcast %lt3A_205 : i32 to vector<16xi32>
      %lt3A_207 = arith.cmpi slt, %get3A_204, %lt3A_206 : vector<16xi32>
      %add3A_208 = arith.constant 16 : i32
      %add3A_209 = vector.broadcast %add3A_208 : i32 to vector<16xi32>
      %add3A_210 = arith.addi %get3A_204, %add3A_209 : vector<16xi32>
      %select_n3A_211 = arith.select %lt3A_207, %add3A_210, %get3A_204 : vector<16xi1>, vector<16xi32>
      %broadcast_in_dim3A_212 = vector.shape_cast %select_n3A_211 : vector<16xi32> to vector<16x1xi32>
      %gather3A_213 = vector.shape_cast %broadcast_in_dim3A_212 : vector<16x1xi32> to vector<16xi32>
      %gather3A_214 = tpu.dynamic_gather %div3A[%gather3A_213] in [0] : vector<16xf32>, vector<16xi32> -> vector<16xf32>
      %swap3A_215 = arith.index_cast %scan3A_110 : i32 to index
      %swap3A_216 = arith.constant 80 : index
      %swap3A_217 = tpu.vector_load %arg7[%swap3A_215, %swap3A_216] {strides = array<i32>} : memref<100x128xf32, #tpu.memory_space<vmem>>, vector<1x16xf32>,
      %swap3A_218 = vector.shape_cast %swap3A_217 : vector<1x16xf32> to vector<16xf32>
      %swap3A_219 = vector.shape_cast %gather3A_214 : vector<16xf32> to vector<1x16xf32>
      tpu.vector_store %arg7[%swap3A_215, %swap3A_216], %swap3A_219 {strides = array<i32>} : memref<100x128xf32, #tpu.memory_space<vmem>>, vector<1x16xf32>,
      %get3A_220 = arith.index_cast %scan3A_110 : i32 to index
      %get3A_221 = arith.constant 96 : index
      %get3A_222 = tpu.vector_load %arg5[%get3A_220, %get3A_221] {strides = array<i32>} : memref<100x128xi32, #tpu.memory_space<vmem>>, vector<1x16xi32>,
      %get3A_223 = vector.shape_cast %get3A_222 : vector<1x16xi32> to vector<16xi32>
      %lt3A_224 = arith.constant 0 : i32
      %lt3A_225 = vector.broadcast %lt3A_224 : i32 to vector<16xi32>
      %lt3A_226 = arith.cmpi slt, %get3A_223, %lt3A_225 : vector<16xi32>
      %add3A_227 = arith.constant 16 : i32
      %add3A_228 = vector.broadcast %add3A_227 : i32 to vector<16xi32>
      %add3A_229 = arith.addi %get3A_223, %add3A_228 : vector<16xi32>
      %select_n3A_230 = arith.select %lt3A_226, %add3A_229, %get3A_223 : vector<16xi1>, vector<16xi32>
      %broadcast_in_dim3A_231 = vector.shape_cast %select_n3A_230 : vector<16xi32> to vector<16x1xi32>
      %gather3A_232 = vector.shape_cast %broadcast_in_dim3A_231 : vector<16x1xi32> to vector<16xi32>
      %gather3A_233 = tpu.dynamic_gather %div3A[%gather3A_232] in [0] : vector<16xf32>, vector<16xi32> -> vector<16xf32>
      %swap3A_234 = arith.index_cast %scan3A_110 : i32 to index
      %swap3A_235 = arith.constant 96 : index
      %swap3A_236 = tpu.vector_load %arg7[%swap3A_234, %swap3A_235] {strides = array<i32>} : memref<100x128xf32, #tpu.memory_space<vmem>>, vector<1x16xf32>,
      %swap3A_237 = vector.shape_cast %swap3A_236 : vector<1x16xf32> to vector<16xf32>
      %swap3A_238 = vector.shape_cast %gather3A_233 : vector<16xf32> to vector<1x16xf32>
      tpu.vector_store %arg7[%swap3A_234, %swap3A_235], %swap3A_238 {strides = array<i32>} : memref<100x128xf32, #tpu.memory_space<vmem>>, vector<1x16xf32>,
      %get3A_239 = arith.index_cast %scan3A_110 : i32 to index
      %get3A_240 = arith.constant 112 : index
      %get3A_241 = tpu.vector_load %arg5[%get3A_239, %get3A_240] {strides = array<i32>} : memref<100x128xi32, #tpu.memory_space<vmem>>, vector<1x16xi32>,
      %get3A_242 = vector.shape_cast %get3A_241 : vector<1x16xi32> to vector<16xi32>
      %lt3A_243 = arith.constant 0 : i32
      %lt3A_244 = vector.broadcast %lt3A_243 : i32 to vector<16xi32>
      %lt3A_245 = arith.cmpi slt, %get3A_242, %lt3A_244 : vector<16xi32>
      %add3A_246 = arith.constant 16 : i32
      %add3A_247 = vector.broadcast %add3A_246 : i32 to vector<16xi32>
      %add3A_248 = arith.addi %get3A_242, %add3A_247 : vector<16xi32>
      %select_n3A_249 = arith.select %lt3A_245, %add3A_248, %get3A_242 : vector<16xi1>, vector<16xi32>
      %broadcast_in_dim3A_250 = vector.shape_cast %select_n3A_249 : vector<16xi32> to vector<16x1xi32>
      %gather3A_251 = vector.shape_cast %broadcast_in_dim3A_250 : vector<16x1xi32> to vector<16xi32>
      %gather3A_252 = tpu.dynamic_gather %div3A[%gather3A_251] in [0] : vector<16xf32>, vector<16xi32> -> vector<16xf32>
      %swap3A_253 = arith.index_cast %scan3A_110 : i32 to index
      %swap3A_254 = arith.constant 112 : index
      %swap3A_255 = tpu.vector_load %arg7[%swap3A_253, %swap3A_254] {strides = array<i32>} : memref<100x128xf32, #tpu.memory_space<vmem>>, vector<1x16xf32>,
      %swap3A_256 = vector.shape_cast %swap3A_255 : vector<1x16xf32> to vector<16xf32>
      %swap3A_257 = vector.shape_cast %gather3A_252 : vector<16xf32> to vector<1x16xf32>
      tpu.vector_store %arg7[%swap3A_253, %swap3A_254], %swap3A_257 {strides = array<i32>} : memref<100x128xf32, #tpu.memory_space<vmem>>, vector<1x16xf32>,
    }
    %scan3A_27 = arith.constant 100 : i32
    %add3A_28 = arith.constant 0 : i32
    %add3A_29 = arith.addi %mul3A_2, %add3A_28 : i32
    %dma_start3A_30 = arith.constant 0 : i32
    %dma_start3A_31 = tpu.memref_slice %arg4[%dma_start3A_30, %add3A_29] : memref<100x16384xf32, #tpu.memory_space<hbm>> -> memref<100x128xf32, #tpu.memory_space<hbm>>
    %dma_start3A_32 = arith.constant 0 : i32
    %dma_start3A_33 = tpu.memref_slice %arg4[%dma_start3A_32, %add3A_29] : memref<100x16384xf32, #tpu.memory_space<hbm>> -> memref<100x128xf32, #tpu.memory_space<hbm>>
    tpu.enqueue_dma source(%arg7 : memref<100x128xf32, #tpu.memory_space<vmem>>) target(%dma_start3A_33 : memref<100x128xf32, #tpu.memory_space<hbm>>) target_semaphore(%arg12 : memref<!tpu.dma_semaphore, #tpu.memory_space<semaphore_mem>>)
    %add3A_34 = arith.constant 256 : i32
    %add3A_35 = arith.addi %mul3A_2, %add3A_34 : i32
    %dma_start3A_36 = arith.constant 0 : i32
    %dma_start3A_37 = tpu.memref_slice %arg2[%dma_start3A_36, %add3A_35] : memref<100x16384xi32, #tpu.memory_space<hbm>> -> memref<100x128xi32, #tpu.memory_space<hbm>>
    %dma_start3A_38 = arith.constant 0 : i32
    %dma_start3A_39 = tpu.memref_slice %arg2[%dma_start3A_38, %add3A_35] : memref<100x16384xi32, #tpu.memory_space<hbm>> -> memref<100x128xi32, #tpu.memory_space<hbm>>
    tpu.enqueue_dma source(%dma_start3A_39 : memref<100x128xi32, #tpu.memory_space<hbm>>) target(%arg5 : memref<100x128xi32, #tpu.memory_space<vmem>>) target_semaphore(%arg10 : memref<!tpu.dma_semaphore, #tpu.memory_space<semaphore_mem>>)
    %dma_wait3A_40 = arith.constant 0 : i32
    %dma_wait3A_41 = tpu.memref_slice %arg2[%dma_wait3A_40, %add3A_15] : memref<100x16384xi32, #tpu.memory_space<hbm>> -> memref<100x128xi32, #tpu.memory_space<hbm>>
    %dma_wait3A_42 = arith.constant 0 : i32
    %dma_wait3A_43 = tpu.memref_slice %arg2[%dma_wait3A_42, %add3A_15] : memref<100x16384xi32, #tpu.memory_space<hbm>> -> memref<100x128xi32, #tpu.memory_space<hbm>>
    tpu.wait_dma2 semaphore(%arg11 : memref<!tpu.dma_semaphore, #tpu.memory_space<semaphore_mem>>) src(%dma_wait3A_43 : memref<100x128xi32, #tpu.memory_space<hbm>>) dst(%arg6 : memref<100x128xi32, #tpu.memory_space<vmem>>)
    %scan3A_44 = arith.constant 0 : i32
    %scan3A_45 = arith.constant 0 : i32
    %scan3A_46 = arith.constant 100 : i32
    %scan3A_47 = arith.addi %scan3A_45, %scan3A_46 : i32
    %scan3A_48 = arith.constant 1 : i32
    scf.for %scan3A_110 = %scan3A_45 to %scan3A_47 step %scan3A_48  : i32 {
      %get3A_111 = arith.index_cast %scan3A_110 : i32 to index
      %get3A_112 = arith.constant 0 : index
      %get3A_113 = tpu.vector_load %arg6[%get3A_111, %get3A_112] {strides = array<i32>} : memref<100x128xi32, #tpu.memory_space<vmem>>, vector<1x16xi32>,
      %get3A_114 = vector.shape_cast %get3A_113 : vector<1x16xi32> to vector<16xi32>
      %lt3A = arith.constant 0 : i32
      %lt3A_115 = vector.broadcast %lt3A : i32 to vector<16xi32>
      %lt3A_116 = arith.cmpi slt, %get3A_114, %lt3A_115 : vector<16xi32>
      %add3A_117 = arith.constant 16 : i32
      %add3A_118 = vector.broadcast %add3A_117 : i32 to vector<16xi32>
      %add3A_119 = arith.addi %get3A_114, %add3A_118 : vector<16xi32>
      %select_n3A = arith.select %lt3A_116, %add3A_119, %get3A_114 : vector<16xi1>, vector<16xi32>
      %broadcast_in_dim3A = vector.shape_cast %select_n3A : vector<16xi32> to vector<16x1xi32>
      %gather3A = vector.shape_cast %broadcast_in_dim3A : vector<16x1xi32> to vector<16xi32>
      %gather3A_120 = tpu.dynamic_gather %div3A[%gather3A] in [0] : vector<16xf32>, vector<16xi32> -> vector<16xf32>
      %swap3A = arith.index_cast %scan3A_110 : i32 to index
      %swap3A_121 = arith.constant 0 : index
      %swap3A_122 = tpu.vector_load %arg8[%swap3A, %swap3A_121] {strides = array<i32>} : memref<100x128xf32, #tpu.memory_space<vmem>>, vector<1x16xf32>,
      %swap3A_123 = vector.shape_cast %swap3A_122 : vector<1x16xf32> to vector<16xf32>
      %swap3A_124 = vector.shape_cast %gather3A_120 : vector<16xf32> to vector<1x16xf32>
      tpu.vector_store %arg8[%swap3A, %swap3A_121], %swap3A_124 {strides = array<i32>} : memref<100x128xf32, #tpu.memory_space<vmem>>, vector<1x16xf32>,
      %get3A_125 = arith.index_cast %scan3A_110 : i32 to index
      %get3A_126 = arith.constant 16 : index
      %get3A_127 = tpu.vector_load %arg6[%get3A_125, %get3A_126] {strides = array<i32>} : memref<100x128xi32, #tpu.memory_space<vmem>>, vector<1x16xi32>,
      %get3A_128 = vector.shape_cast %get3A_127 : vector<1x16xi32> to vector<16xi32>
      %lt3A_129 = arith.constant 0 : i32
      %lt3A_130 = vector.broadcast %lt3A_129 : i32 to vector<16xi32>
      %lt3A_131 = arith.cmpi slt, %get3A_128, %lt3A_130 : vector<16xi32>
      %add3A_132 = arith.constant 16 : i32
      %add3A_133 = vector.broadcast %add3A_132 : i32 to vector<16xi32>
      %add3A_134 = arith.addi %get3A_128, %add3A_133 : vector<16xi32>
      %select_n3A_135 = arith.select %lt3A_131, %add3A_134, %get3A_128 : vector<16xi1>, vector<16xi32>
      %broadcast_in_dim3A_136 = vector.shape_cast %select_n3A_135 : vector<16xi32> to vector<16x1xi32>
      %gather3A_137 = vector.shape_cast %broadcast_in_dim3A_136 : vector<16x1xi32> to vector<16xi32>
      %gather3A_138 = tpu.dynamic_gather %div3A[%gather3A_137] in [0] : vector<16xf32>, vector<16xi32> -> vector<16xf32>
      %swap3A_139 = arith.index_cast %scan3A_110 : i32 to index
      %swap3A_140 = arith.constant 16 : index
      %swap3A_141 = tpu.vector_load %arg8[%swap3A_139, %swap3A_140] {strides = array<i32>} : memref<100x128xf32, #tpu.memory_space<vmem>>, vector<1x16xf32>,
      %swap3A_142 = vector.shape_cast %swap3A_141 : vector<1x16xf32> to vector<16xf32>
      %swap3A_143 = vector.shape_cast %gather3A_138 : vector<16xf32> to vector<1x16xf32>
      tpu.vector_store %arg8[%swap3A_139, %swap3A_140], %swap3A_143 {strides = array<i32>} : memref<100x128xf32, #tpu.memory_space<vmem>>, vector<1x16xf32>,
      %get3A_144 = arith.index_cast %scan3A_110 : i32 to index
      %get3A_145 = arith.constant 32 : index
      %get3A_146 = tpu.vector_load %arg6[%get3A_144, %get3A_145] {strides = array<i32>} : memref<100x128xi32, #tpu.memory_space<vmem>>, vector<1x16xi32>,
      %get3A_147 = vector.shape_cast %get3A_146 : vector<1x16xi32> to vector<16xi32>
      %lt3A_148 = arith.constant 0 : i32
      %lt3A_149 = vector.broadcast %lt3A_148 : i32 to vector<16xi32>
      %lt3A_150 = arith.cmpi slt, %get3A_147, %lt3A_149 : vector<16xi32>
      %add3A_151 = arith.constant 16 : i32
      %add3A_152 = vector.broadcast %add3A_151 : i32 to vector<16xi32>
      %add3A_153 = arith.addi %get3A_147, %add3A_152 : vector<16xi32>
      %select_n3A_154 = arith.select %lt3A_150, %add3A_153, %get3A_147 : vector<16xi1>, vector<16xi32>
      %broadcast_in_dim3A_155 = vector.shape_cast %select_n3A_154 : vector<16xi32> to vector<16x1xi32>
      %gather3A_156 = vector.shape_cast %broadcast_in_dim3A_155 : vector<16x1xi32> to vector<16xi32>
      %gather3A_157 = tpu.dynamic_gather %div3A[%gather3A_156] in [0] : vector<16xf32>, vector<16xi32> -> vector<16xf32>
      %swap3A_158 = arith.index_cast %scan3A_110 : i32 to index
      %swap3A_159 = arith.constant 32 : index
      %swap3A_160 = tpu.vector_load %arg8[%swap3A_158, %swap3A_159] {strides = array<i32>} : memref<100x128xf32, #tpu.memory_space<vmem>>, vector<1x16xf32>,
      %swap3A_161 = vector.shape_cast %swap3A_160 : vector<1x16xf32> to vector<16xf32>
      %swap3A_162 = vector.shape_cast %gather3A_157 : vector<16xf32> to vector<1x16xf32>
      tpu.vector_store %arg8[%swap3A_158, %swap3A_159], %swap3A_162 {strides = array<i32>} : memref<100x128xf32, #tpu.memory_space<vmem>>, vector<1x16xf32>,
      %get3A_163 = arith.index_cast %scan3A_110 : i32 to index
      %get3A_164 = arith.constant 48 : index
      %get3A_165 = tpu.vector_load %arg6[%get3A_163, %get3A_164] {strides = array<i32>} : memref<100x128xi32, #tpu.memory_space<vmem>>, vector<1x16xi32>,
      %get3A_166 = vector.shape_cast %get3A_165 : vector<1x16xi32> to vector<16xi32>
      %lt3A_167 = arith.constant 0 : i32
      %lt3A_168 = vector.broadcast %lt3A_167 : i32 to vector<16xi32>
      %lt3A_169 = arith.cmpi slt, %get3A_166, %lt3A_168 : vector<16xi32>
      %add3A_170 = arith.constant 16 : i32
      %add3A_171 = vector.broadcast %add3A_170 : i32 to vector<16xi32>
      %add3A_172 = arith.addi %get3A_166, %add3A_171 : vector<16xi32>
      %select_n3A_173 = arith.select %lt3A_169, %add3A_172, %get3A_166 : vector<16xi1>, vector<16xi32>
      %broadcast_in_dim3A_174 = vector.shape_cast %select_n3A_173 : vector<16xi32> to vector<16x1xi32>
      %gather3A_175 = vector.shape_cast %broadcast_in_dim3A_174 : vector<16x1xi32> to vector<16xi32>
      %gather3A_176 = tpu.dynamic_gather %div3A[%gather3A_175] in [0] : vector<16xf32>, vector<16xi32> -> vector<16xf32>
      %swap3A_177 = arith.index_cast %scan3A_110 : i32 to index
      %swap3A_178 = arith.constant 48 : index
      %swap3A_179 = tpu.vector_load %arg8[%swap3A_177, %swap3A_178] {strides = array<i32>} : memref<100x128xf32, #tpu.memory_space<vmem>>, vector<1x16xf32>,
      %swap3A_180 = vector.shape_cast %swap3A_179 : vector<1x16xf32> to vector<16xf32>
      %swap3A_181 = vector.shape_cast %gather3A_176 : vector<16xf32> to vector<1x16xf32>
      tpu.vector_store %arg8[%swap3A_177, %swap3A_178], %swap3A_181 {strides = array<i32>} : memref<100x128xf32, #tpu.memory_space<vmem>>, vector<1x16xf32>,
      %get3A_182 = arith.index_cast %scan3A_110 : i32 to index
      %get3A_183 = arith.constant 64 : index
      %get3A_184 = tpu.vector_load %arg6[%get3A_182, %get3A_183] {strides = array<i32>} : memref<100x128xi32, #tpu.memory_space<vmem>>, vector<1x16xi32>,
      %get3A_185 = vector.shape_cast %get3A_184 : vector<1x16xi32> to vector<16xi32>
      %lt3A_186 = arith.constant 0 : i32
      %lt3A_187 = vector.broadcast %lt3A_186 : i32 to vector<16xi32>
      %lt3A_188 = arith.cmpi slt, %get3A_185, %lt3A_187 : vector<16xi32>
      %add3A_189 = arith.constant 16 : i32
      %add3A_190 = vector.broadcast %add3A_189 : i32 to vector<16xi32>
      %add3A_191 = arith.addi %get3A_185, %add3A_190 : vector<16xi32>
      %select_n3A_192 = arith.select %lt3A_188, %add3A_191, %get3A_185 : vector<16xi1>, vector<16xi32>
      %broadcast_in_dim3A_193 = vector.shape_cast %select_n3A_192 : vector<16xi32> to vector<16x1xi32>
      %gather3A_194 = vector.shape_cast %broadcast_in_dim3A_193 : vector<16x1xi32> to vector<16xi32>
      %gather3A_195 = tpu.dynamic_gather %div3A[%gather3A_194] in [0] : vector<16xf32>, vector<16xi32> -> vector<16xf32>
      %swap3A_196 = arith.index_cast %scan3A_110 : i32 to index
      %swap3A_197 = arith.constant 64 : index
      %swap3A_198 = tpu.vector_load %arg8[%swap3A_196, %swap3A_197] {strides = array<i32>} : memref<100x128xf32, #tpu.memory_space<vmem>>, vector<1x16xf32>,
      %swap3A_199 = vector.shape_cast %swap3A_198 : vector<1x16xf32> to vector<16xf32>
      %swap3A_200 = vector.shape_cast %gather3A_195 : vector<16xf32> to vector<1x16xf32>
      tpu.vector_store %arg8[%swap3A_196, %swap3A_197], %swap3A_200 {strides = array<i32>} : memref<100x128xf32, #tpu.memory_space<vmem>>, vector<1x16xf32>,
      %get3A_201 = arith.index_cast %scan3A_110 : i32 to index
      %get3A_202 = arith.constant 80 : index
      %get3A_203 = tpu.vector_load %arg6[%get3A_201, %get3A_202] {strides = array<i32>} : memref<100x128xi32, #tpu.memory_space<vmem>>, vector<1x16xi32>,
      %get3A_204 = vector.shape_cast %get3A_203 : vector<1x16xi32> to vector<16xi32>
      %lt3A_205 = arith.constant 0 : i32
      %lt3A_206 = vector.broadcast %lt3A_205 : i32 to vector<16xi32>
      %lt3A_207 = arith.cmpi slt, %get3A_204, %lt3A_206 : vector<16xi32>
      %add3A_208 = arith.constant 16 : i32
      %add3A_209 = vector.broadcast %add3A_208 : i32 to vector<16xi32>
      %add3A_210 = arith.addi %get3A_204, %add3A_209 : vector<16xi32>
      %select_n3A_211 = arith.select %lt3A_207, %add3A_210, %get3A_204 : vector<16xi1>, vector<16xi32>
      %broadcast_in_dim3A_212 = vector.shape_cast %select_n3A_211 : vector<16xi32> to vector<16x1xi32>
      %gather3A_213 = vector.shape_cast %broadcast_in_dim3A_212 : vector<16x1xi32> to vector<16xi32>
      %gather3A_214 = tpu.dynamic_gather %div3A[%gather3A_213] in [0] : vector<16xf32>, vector<16xi32> -> vector<16xf32>
      %swap3A_215 = arith.index_cast %scan3A_110 : i32 to index
      %swap3A_216 = arith.constant 80 : index
      %swap3A_217 = tpu.vector_load %arg8[%swap3A_215, %swap3A_216] {strides = array<i32>} : memref<100x128xf32, #tpu.memory_space<vmem>>, vector<1x16xf32>,
      %swap3A_218 = vector.shape_cast %swap3A_217 : vector<1x16xf32> to vector<16xf32>
      %swap3A_219 = vector.shape_cast %gather3A_214 : vector<16xf32> to vector<1x16xf32>
      tpu.vector_store %arg8[%swap3A_215, %swap3A_216], %swap3A_219 {strides = array<i32>} : memref<100x128xf32, #tpu.memory_space<vmem>>, vector<1x16xf32>,
      %get3A_220 = arith.index_cast %scan3A_110 : i32 to index
      %get3A_221 = arith.constant 96 : index
      %get3A_222 = tpu.vector_load %arg6[%get3A_220, %get3A_221] {strides = array<i32>} : memref<100x128xi32, #tpu.memory_space<vmem>>, vector<1x16xi32>,
      %get3A_223 = vector.shape_cast %get3A_222 : vector<1x16xi32> to vector<16xi32>
      %lt3A_224 = arith.constant 0 : i32
      %lt3A_225 = vector.broadcast %lt3A_224 : i32 to vector<16xi32>
      %lt3A_226 = arith.cmpi slt, %get3A_223, %lt3A_225 : vector<16xi32>
      %add3A_227 = arith.constant 16 : i32
      %add3A_228 = vector.broadcast %add3A_227 : i32 to vector<16xi32>
      %add3A_229 = arith.addi %get3A_223, %add3A_228 : vector<16xi32>
      %select_n3A_230 = arith.select %lt3A_226, %add3A_229, %get3A_223 : vector<16xi1>, vector<16xi32>
      %broadcast_in_dim3A_231 = vector.shape_cast %select_n3A_230 : vector<16xi32> to vector<16x1xi32>
      %gather3A_232 = vector.shape_cast %broadcast_in_dim3A_231 : vector<16x1xi32> to vector<16xi32>
      %gather3A_233 = tpu.dynamic_gather %div3A[%gather3A_232] in [0] : vector<16xf32>, vector<16xi32> -> vector<16xf32>
      %swap3A_234 = arith.index_cast %scan3A_110 : i32 to index
      %swap3A_235 = arith.constant 96 : index
      %swap3A_236 = tpu.vector_load %arg8[%swap3A_234, %swap3A_235] {strides = array<i32>} : memref<100x128xf32, #tpu.memory_space<vmem>>, vector<1x16xf32>,
      %swap3A_237 = vector.shape_cast %swap3A_236 : vector<1x16xf32> to vector<16xf32>
      %swap3A_238 = vector.shape_cast %gather3A_233 : vector<16xf32> to vector<1x16xf32>
      tpu.vector_store %arg8[%swap3A_234, %swap3A_235], %swap3A_238 {strides = array<i32>} : memref<100x128xf32, #tpu.memory_space<vmem>>, vector<1x16xf32>,
      %get3A_239 = arith.index_cast %scan3A_110 : i32 to index
      %get3A_240 = arith.constant 112 : index
      %get3A_241 = tpu.vector_load %arg6[%get3A_239, %get3A_240] {strides = array<i32>} : memref<100x128xi32, #tpu.memory_space<vmem>>, vector<1x16xi32>,
      %get3A_242 = vector.shape_cast %get3A_241 : vector<1x16xi32> to vector<16xi32>
      %lt3A_243 = arith.constant 0 : i32
      %lt3A_244 = vector.broadcast %lt3A_243 : i32 to vector<16xi32>
      %lt3A_245 = arith.cmpi slt, %get3A_242, %lt3A_244 : vector<16xi32>
      %add3A_246 = arith.constant 16 : i32
      %add3A_247 = vector.broadcast %add3A_246 : i32 to vector<16xi32>
      %add3A_248 = arith.addi %get3A_242, %add3A_247 : vector<16xi32>
      %select_n3A_249 = arith.select %lt3A_245, %add3A_248, %get3A_242 : vector<16xi1>, vector<16xi32>
      %broadcast_in_dim3A_250 = vector.shape_cast %select_n3A_249 : vector<16xi32> to vector<16x1xi32>
      %gather3A_251 = vector.shape_cast %broadcast_in_dim3A_250 : vector<16x1xi32> to vector<16xi32>
      %gather3A_252 = tpu.dynamic_gather %div3A[%gather3A_251] in [0] : vector<16xf32>, vector<16xi32> -> vector<16xf32>
      %swap3A_253 = arith.index_cast %scan3A_110 : i32 to index
      %swap3A_254 = arith.constant 112 : index
      %swap3A_255 = tpu.vector_load %arg8[%swap3A_253, %swap3A_254] {strides = array<i32>} : memref<100x128xf32, #tpu.memory_space<vmem>>, vector<1x16xf32>,
      %swap3A_256 = vector.shape_cast %swap3A_255 : vector<1x16xf32> to vector<16xf32>
      %swap3A_257 = vector.shape_cast %gather3A_252 : vector<16xf32> to vector<1x16xf32>
      tpu.vector_store %arg8[%swap3A_253, %swap3A_254], %swap3A_257 {strides = array<i32>} : memref<100x128xf32, #tpu.memory_space<vmem>>, vector<1x16xf32>,
    }
    %scan3A_49 = arith.constant 100 : i32
    %add3A_50 = arith.constant 128 : i32
    %add3A_51 = arith.addi %mul3A_2, %add3A_50 : i32
    %dma_start3A_52 = arith.constant 0 : i32
    %dma_start3A_53 = tpu.memref_slice %arg4[%dma_start3A_52, %add3A_51] : memref<100x16384xf32, #tpu.memory_space<hbm>> -> memref<100x128xf32, #tpu.memory_space<hbm>>
    %dma_start3A_54 = arith.constant 0 : i32
    %dma_start3A_55 = tpu.memref_slice %arg4[%dma_start3A_54, %add3A_51] : memref<100x16384xf32, #tpu.memory_space<hbm>> -> memref<100x128xf32, #tpu.memory_space<hbm>>
    tpu.enqueue_dma source(%arg8 : memref<100x128xf32, #tpu.memory_space<vmem>>) target(%dma_start3A_55 : memref<100x128xf32, #tpu.memory_space<hbm>>) target_semaphore(%arg13 : memref<!tpu.dma_semaphore, #tpu.memory_space<semaphore_mem>>)
    %add3A_56 = arith.constant 384 : i32
    %add3A_57 = arith.addi %mul3A_2, %add3A_56 : i32
    %dma_start3A_58 = arith.constant 0 : i32
    %dma_start3A_59 = tpu.memref_slice %arg2[%dma_start3A_58, %add3A_57] : memref<100x16384xi32, #tpu.memory_space<hbm>> -> memref<100x128xi32, #tpu.memory_space<hbm>>
    %dma_start3A_60 = arith.constant 0 : i32
    %dma_start3A_61 = tpu.memref_slice %arg2[%dma_start3A_60, %add3A_57] : memref<100x16384xi32, #tpu.memory_space<hbm>> -> memref<100x128xi32, #tpu.memory_space<hbm>>
    tpu.enqueue_dma source(%dma_start3A_61 : memref<100x128xi32, #tpu.memory_space<hbm>>) target(%arg6 : memref<100x128xi32, #tpu.memory_space<vmem>>) target_semaphore(%arg11 : memref<!tpu.dma_semaphore, #tpu.memory_space<semaphore_mem>>)
    %dma_wait3A_62 = arith.constant 0 : i32
    %dma_wait3A_63 = tpu.memref_slice %arg2[%dma_wait3A_62, %add3A_35] : memref<100x16384xi32, #tpu.memory_space<hbm>> -> memref<100x128xi32, #tpu.memory_space<hbm>>
    %dma_wait3A_64 = arith.constant 0 : i32
    %dma_wait3A_65 = tpu.memref_slice %arg2[%dma_wait3A_64, %add3A_35] : memref<100x16384xi32, #tpu.memory_space<hbm>> -> memref<100x128xi32, #tpu.memory_space<hbm>>
    tpu.wait_dma2 semaphore(%arg10 : memref<!tpu.dma_semaphore, #tpu.memory_space<semaphore_mem>>) src(%dma_wait3A_65 : memref<100x128xi32, #tpu.memory_space<hbm>>) dst(%arg5 : memref<100x128xi32, #tpu.memory_space<vmem>>)
    %dma_wait3A_66 = arith.constant 0 : i32
    %dma_wait3A_67 = tpu.memref_slice %arg4[%dma_wait3A_66, %add3A_29] : memref<100x16384xf32, #tpu.memory_space<hbm>> -> memref<100x128xf32, #tpu.memory_space<hbm>>
    %dma_wait3A_68 = arith.constant 0 : i32
    %dma_wait3A_69 = tpu.memref_slice %arg4[%dma_wait3A_68, %add3A_29] : memref<100x16384xf32, #tpu.memory_space<hbm>> -> memref<100x128xf32, #tpu.memory_space<hbm>>
    tpu.wait_dma2 semaphore(%arg12 : memref<!tpu.dma_semaphore, #tpu.memory_space<semaphore_mem>>) src(%arg7 : memref<100x128xf32, #tpu.memory_space<vmem>>) dst(%dma_wait3A_69 : memref<100x128xf32, #tpu.memory_space<hbm>>)
    %scan3A_70 = arith.constant 0 : i32
    %scan3A_71 = arith.constant 0 : i32
    %scan3A_72 = arith.constant 100 : i32
    %scan3A_73 = arith.addi %scan3A_71, %scan3A_72 : i32
    %scan3A_74 = arith.constant 1 : i32
    scf.for %scan3A_110 = %scan3A_71 to %scan3A_73 step %scan3A_74  : i32 {
      %get3A_111 = arith.index_cast %scan3A_110 : i32 to index
      %get3A_112 = arith.constant 0 : index
      %get3A_113 = tpu.vector_load %arg5[%get3A_111, %get3A_112] {strides = array<i32>} : memref<100x128xi32, #tpu.memory_space<vmem>>, vector<1x16xi32>,
      %get3A_114 = vector.shape_cast %get3A_113 : vector<1x16xi32> to vector<16xi32>
      %lt3A = arith.constant 0 : i32
      %lt3A_115 = vector.broadcast %lt3A : i32 to vector<16xi32>
      %lt3A_116 = arith.cmpi slt, %get3A_114, %lt3A_115 : vector<16xi32>
      %add3A_117 = arith.constant 16 : i32
      %add3A_118 = vector.broadcast %add3A_117 : i32 to vector<16xi32>
      %add3A_119 = arith.addi %get3A_114, %add3A_118 : vector<16xi32>
      %select_n3A = arith.select %lt3A_116, %add3A_119, %get3A_114 : vector<16xi1>, vector<16xi32>
      %broadcast_in_dim3A = vector.shape_cast %select_n3A : vector<16xi32> to vector<16x1xi32>
      %gather3A = vector.shape_cast %broadcast_in_dim3A : vector<16x1xi32> to vector<16xi32>
      %gather3A_120 = tpu.dynamic_gather %div3A[%gather3A] in [0] : vector<16xf32>, vector<16xi32> -> vector<16xf32>
      %swap3A = arith.index_cast %scan3A_110 : i32 to index
      %swap3A_121 = arith.constant 0 : index
      %swap3A_122 = tpu.vector_load %arg7[%swap3A, %swap3A_121] {strides = array<i32>} : memref<100x128xf32, #tpu.memory_space<vmem>>, vector<1x16xf32>,
      %swap3A_123 = vector.shape_cast %swap3A_122 : vector<1x16xf32> to vector<16xf32>
      %swap3A_124 = vector.shape_cast %gather3A_120 : vector<16xf32> to vector<1x16xf32>
      tpu.vector_store %arg7[%swap3A, %swap3A_121], %swap3A_124 {strides = array<i32>} : memref<100x128xf32, #tpu.memory_space<vmem>>, vector<1x16xf32>,
      %get3A_125 = arith.index_cast %scan3A_110 : i32 to index
      %get3A_126 = arith.constant 16 : index
      %get3A_127 = tpu.vector_load %arg5[%get3A_125, %get3A_126] {strides = array<i32>} : memref<100x128xi32, #tpu.memory_space<vmem>>, vector<1x16xi32>,
      %get3A_128 = vector.shape_cast %get3A_127 : vector<1x16xi32> to vector<16xi32>
      %lt3A_129 = arith.constant 0 : i32
      %lt3A_130 = vector.broadcast %lt3A_129 : i32 to vector<16xi32>
      %lt3A_131 = arith.cmpi slt, %get3A_128, %lt3A_130 : vector<16xi32>
      %add3A_132 = arith.constant 16 : i32
      %add3A_133 = vector.broadcast %add3A_132 : i32 to vector<16xi32>
      %add3A_134 = arith.addi %get3A_128, %add3A_133 : vector<16xi32>
      %select_n3A_135 = arith.select %lt3A_131, %add3A_134, %get3A_128 : vector<16xi1>, vector<16xi32>
      %broadcast_in_dim3A_136 = vector.shape_cast %select_n3A_135 : vector<16xi32> to vector<16x1xi32>
      %gather3A_137 = vector.shape_cast %broadcast_in_dim3A_136 : vector<16x1xi32> to vector<16xi32>
      %gather3A_138 = tpu.dynamic_gather %div3A[%gather3A_137] in [0] : vector<16xf32>, vector<16xi32> -> vector<16xf32>
      %swap3A_139 = arith.index_cast %scan3A_110 : i32 to index
      %swap3A_140 = arith.constant 16 : index
      %swap3A_141 = tpu.vector_load %arg7[%swap3A_139, %swap3A_140] {strides = array<i32>} : memref<100x128xf32, #tpu.memory_space<vmem>>, vector<1x16xf32>,
      %swap3A_142 = vector.shape_cast %swap3A_141 : vector<1x16xf32> to vector<16xf32>
      %swap3A_143 = vector.shape_cast %gather3A_138 : vector<16xf32> to vector<1x16xf32>
      tpu.vector_store %arg7[%swap3A_139, %swap3A_140], %swap3A_143 {strides = array<i32>} : memref<100x128xf32, #tpu.memory_space<vmem>>, vector<1x16xf32>,
      %get3A_144 = arith.index_cast %scan3A_110 : i32 to index
      %get3A_145 = arith.constant 32 : index
      %get3A_146 = tpu.vector_load %arg5[%get3A_144, %get3A_145] {strides = array<i32>} : memref<100x128xi32, #tpu.memory_space<vmem>>, vector<1x16xi32>,
      %get3A_147 = vector.shape_cast %get3A_146 : vector<1x16xi32> to vector<16xi32>
      %lt3A_148 = arith.constant 0 : i32
      %lt3A_149 = vector.broadcast %lt3A_148 : i32 to vector<16xi32>
      %lt3A_150 = arith.cmpi slt, %get3A_147, %lt3A_149 : vector<16xi32>
      %add3A_151 = arith.constant 16 : i32
      %add3A_152 = vector.broadcast %add3A_151 : i32 to vector<16xi32>
      %add3A_153 = arith.addi %get3A_147, %add3A_152 : vector<16xi32>
      %select_n3A_154 = arith.select %lt3A_150, %add3A_153, %get3A_147 : vector<16xi1>, vector<16xi32>
      %broadcast_in_dim3A_155 = vector.shape_cast %select_n3A_154 : vector<16xi32> to vector<16x1xi32>
      %gather3A_156 = vector.shape_cast %broadcast_in_dim3A_155 : vector<16x1xi32> to vector<16xi32>
      %gather3A_157 = tpu.dynamic_gather %div3A[%gather3A_156] in [0] : vector<16xf32>, vector<16xi32> -> vector<16xf32>
      %swap3A_158 = arith.index_cast %scan3A_110 : i32 to index
      %swap3A_159 = arith.constant 32 : index
      %swap3A_160 = tpu.vector_load %arg7[%swap3A_158, %swap3A_159] {strides = array<i32>} : memref<100x128xf32, #tpu.memory_space<vmem>>, vector<1x16xf32>,
      %swap3A_161 = vector.shape_cast %swap3A_160 : vector<1x16xf32> to vector<16xf32>
      %swap3A_162 = vector.shape_cast %gather3A_157 : vector<16xf32> to vector<1x16xf32>
      tpu.vector_store %arg7[%swap3A_158, %swap3A_159], %swap3A_162 {strides = array<i32>} : memref<100x128xf32, #tpu.memory_space<vmem>>, vector<1x16xf32>,
      %get3A_163 = arith.index_cast %scan3A_110 : i32 to index
      %get3A_164 = arith.constant 48 : index
      %get3A_165 = tpu.vector_load %arg5[%get3A_163, %get3A_164] {strides = array<i32>} : memref<100x128xi32, #tpu.memory_space<vmem>>, vector<1x16xi32>,
      %get3A_166 = vector.shape_cast %get3A_165 : vector<1x16xi32> to vector<16xi32>
      %lt3A_167 = arith.constant 0 : i32
      %lt3A_168 = vector.broadcast %lt3A_167 : i32 to vector<16xi32>
      %lt3A_169 = arith.cmpi slt, %get3A_166, %lt3A_168 : vector<16xi32>
      %add3A_170 = arith.constant 16 : i32
      %add3A_171 = vector.broadcast %add3A_170 : i32 to vector<16xi32>
      %add3A_172 = arith.addi %get3A_166, %add3A_171 : vector<16xi32>
      %select_n3A_173 = arith.select %lt3A_169, %add3A_172, %get3A_166 : vector<16xi1>, vector<16xi32>
      %broadcast_in_dim3A_174 = vector.shape_cast %select_n3A_173 : vector<16xi32> to vector<16x1xi32>
      %gather3A_175 = vector.shape_cast %broadcast_in_dim3A_174 : vector<16x1xi32> to vector<16xi32>
      %gather3A_176 = tpu.dynamic_gather %div3A[%gather3A_175] in [0] : vector<16xf32>, vector<16xi32> -> vector<16xf32>
      %swap3A_177 = arith.index_cast %scan3A_110 : i32 to index
      %swap3A_178 = arith.constant 48 : index
      %swap3A_179 = tpu.vector_load %arg7[%swap3A_177, %swap3A_178] {strides = array<i32>} : memref<100x128xf32, #tpu.memory_space<vmem>>, vector<1x16xf32>,
      %swap3A_180 = vector.shape_cast %swap3A_179 : vector<1x16xf32> to vector<16xf32>
      %swap3A_181 = vector.shape_cast %gather3A_176 : vector<16xf32> to vector<1x16xf32>
      tpu.vector_store %arg7[%swap3A_177, %swap3A_178], %swap3A_181 {strides = array<i32>} : memref<100x128xf32, #tpu.memory_space<vmem>>, vector<1x16xf32>,
      %get3A_182 = arith.index_cast %scan3A_110 : i32 to index
      %get3A_183 = arith.constant 64 : index
      %get3A_184 = tpu.vector_load %arg5[%get3A_182, %get3A_183] {strides = array<i32>} : memref<100x128xi32, #tpu.memory_space<vmem>>, vector<1x16xi32>,
      %get3A_185 = vector.shape_cast %get3A_184 : vector<1x16xi32> to vector<16xi32>
      %lt3A_186 = arith.constant 0 : i32
      %lt3A_187 = vector.broadcast %lt3A_186 : i32 to vector<16xi32>
      %lt3A_188 = arith.cmpi slt, %get3A_185, %lt3A_187 : vector<16xi32>
      %add3A_189 = arith.constant 16 : i32
      %add3A_190 = vector.broadcast %add3A_189 : i32 to vector<16xi32>
      %add3A_191 = arith.addi %get3A_185, %add3A_190 : vector<16xi32>
      %select_n3A_192 = arith.select %lt3A_188, %add3A_191, %get3A_185 : vector<16xi1>, vector<16xi32>
      %broadcast_in_dim3A_193 = vector.shape_cast %select_n3A_192 : vector<16xi32> to vector<16x1xi32>
      %gather3A_194 = vector.shape_cast %broadcast_in_dim3A_193 : vector<16x1xi32> to vector<16xi32>
      %gather3A_195 = tpu.dynamic_gather %div3A[%gather3A_194] in [0] : vector<16xf32>, vector<16xi32> -> vector<16xf32>
      %swap3A_196 = arith.index_cast %scan3A_110 : i32 to index
      %swap3A_197 = arith.constant 64 : index
      %swap3A_198 = tpu.vector_load %arg7[%swap3A_196, %swap3A_197] {strides = array<i32>} : memref<100x128xf32, #tpu.memory_space<vmem>>, vector<1x16xf32>,
      %swap3A_199 = vector.shape_cast %swap3A_198 : vector<1x16xf32> to vector<16xf32>
      %swap3A_200 = vector.shape_cast %gather3A_195 : vector<16xf32> to vector<1x16xf32>
      tpu.vector_store %arg7[%swap3A_196, %swap3A_197], %swap3A_200 {strides = array<i32>} : memref<100x128xf32, #tpu.memory_space<vmem>>, vector<1x16xf32>,
      %get3A_201 = arith.index_cast %scan3A_110 : i32 to index
      %get3A_202 = arith.constant 80 : index
      %get3A_203 = tpu.vector_load %arg5[%get3A_201, %get3A_202] {strides = array<i32>} : memref<100x128xi32, #tpu.memory_space<vmem>>, vector<1x16xi32>,
      %get3A_204 = vector.shape_cast %get3A_203 : vector<1x16xi32> to vector<16xi32>
      %lt3A_205 = arith.constant 0 : i32
      %lt3A_206 = vector.broadcast %lt3A_205 : i32 to vector<16xi32>
      %lt3A_207 = arith.cmpi slt, %get3A_204, %lt3A_206 : vector<16xi32>
      %add3A_208 = arith.constant 16 : i32
      %add3A_209 = vector.broadcast %add3A_208 : i32 to vector<16xi32>
      %add3A_210 = arith.addi %get3A_204, %add3A_209 : vector<16xi32>
      %select_n3A_211 = arith.select %lt3A_207, %add3A_210, %get3A_204 : vector<16xi1>, vector<16xi32>
      %broadcast_in_dim3A_212 = vector.shape_cast %select_n3A_211 : vector<16xi32> to vector<16x1xi32>
      %gather3A_213 = vector.shape_cast %broadcast_in_dim3A_212 : vector<16x1xi32> to vector<16xi32>
      %gather3A_214 = tpu.dynamic_gather %div3A[%gather3A_213] in [0] : vector<16xf32>, vector<16xi32> -> vector<16xf32>
      %swap3A_215 = arith.index_cast %scan3A_110 : i32 to index
      %swap3A_216 = arith.constant 80 : index
      %swap3A_217 = tpu.vector_load %arg7[%swap3A_215, %swap3A_216] {strides = array<i32>} : memref<100x128xf32, #tpu.memory_space<vmem>>, vector<1x16xf32>,
      %swap3A_218 = vector.shape_cast %swap3A_217 : vector<1x16xf32> to vector<16xf32>
      %swap3A_219 = vector.shape_cast %gather3A_214 : vector<16xf32> to vector<1x16xf32>
      tpu.vector_store %arg7[%swap3A_215, %swap3A_216], %swap3A_219 {strides = array<i32>} : memref<100x128xf32, #tpu.memory_space<vmem>>, vector<1x16xf32>,
      %get3A_220 = arith.index_cast %scan3A_110 : i32 to index
      %get3A_221 = arith.constant 96 : index
      %get3A_222 = tpu.vector_load %arg5[%get3A_220, %get3A_221] {strides = array<i32>} : memref<100x128xi32, #tpu.memory_space<vmem>>, vector<1x16xi32>,
      %get3A_223 = vector.shape_cast %get3A_222 : vector<1x16xi32> to vector<16xi32>
      %lt3A_224 = arith.constant 0 : i32
      %lt3A_225 = vector.broadcast %lt3A_224 : i32 to vector<16xi32>
      %lt3A_226 = arith.cmpi slt, %get3A_223, %lt3A_225 : vector<16xi32>
      %add3A_227 = arith.constant 16 : i32
      %add3A_228 = vector.broadcast %add3A_227 : i32 to vector<16xi32>
      %add3A_229 = arith.addi %get3A_223, %add3A_228 : vector<16xi32>
      %select_n3A_230 = arith.select %lt3A_226, %add3A_229, %get3A_223 : vector<16xi1>, vector<16xi32>
      %broadcast_in_dim3A_231 = vector.shape_cast %select_n3A_230 : vector<16xi32> to vector<16x1xi32>
      %gather3A_232 = vector.shape_cast %broadcast_in_dim3A_231 : vector<16x1xi32> to vector<16xi32>
      %gather3A_233 = tpu.dynamic_gather %div3A[%gather3A_232] in [0] : vector<16xf32>, vector<16xi32> -> vector<16xf32>
      %swap3A_234 = arith.index_cast %scan3A_110 : i32 to index
      %swap3A_235 = arith.constant 96 : index
      %swap3A_236 = tpu.vector_load %arg7[%swap3A_234, %swap3A_235] {strides = array<i32>} : memref<100x128xf32, #tpu.memory_space<vmem>>, vector<1x16xf32>,
      %swap3A_237 = vector.shape_cast %swap3A_236 : vector<1x16xf32> to vector<16xf32>
      %swap3A_238 = vector.shape_cast %gather3A_233 : vector<16xf32> to vector<1x16xf32>
      tpu.vector_store %arg7[%swap3A_234, %swap3A_235], %swap3A_238 {strides = array<i32>} : memref<100x128xf32, #tpu.memory_space<vmem>>, vector<1x16xf32>,
      %get3A_239 = arith.index_cast %scan3A_110 : i32 to index
      %get3A_240 = arith.constant 112 : index
      %get3A_241 = tpu.vector_load %arg5[%get3A_239, %get3A_240] {strides = array<i32>} : memref<100x128xi32, #tpu.memory_space<vmem>>, vector<1x16xi32>,
      %get3A_242 = vector.shape_cast %get3A_241 : vector<1x16xi32> to vector<16xi32>
      %lt3A_243 = arith.constant 0 : i32
      %lt3A_244 = vector.broadcast %lt3A_243 : i32 to vector<16xi32>
      %lt3A_245 = arith.cmpi slt, %get3A_242, %lt3A_244 : vector<16xi32>
      %add3A_246 = arith.constant 16 : i32
      %add3A_247 = vector.broadcast %add3A_246 : i32 to vector<16xi32>
      %add3A_248 = arith.addi %get3A_242, %add3A_247 : vector<16xi32>
      %select_n3A_249 = arith.select %lt3A_245, %add3A_248, %get3A_242 : vector<16xi1>, vector<16xi32>
      %broadcast_in_dim3A_250 = vector.shape_cast %select_n3A_249 : vector<16xi32> to vector<16x1xi32>
      %gather3A_251 = vector.shape_cast %broadcast_in_dim3A_250 : vector<16x1xi32> to vector<16xi32>
      %gather3A_252 = tpu.dynamic_gather %div3A[%gather3A_251] in [0] : vector<16xf32>, vector<16xi32> -> vector<16xf32>
      %swap3A_253 = arith.index_cast %scan3A_110 : i32 to index
      %swap3A_254 = arith.constant 112 : index
      %swap3A_255 = tpu.vector_load %arg7[%swap3A_253, %swap3A_254] {strides = array<i32>} : memref<100x128xf32, #tpu.memory_space<vmem>>, vector<1x16xf32>,
      %swap3A_256 = vector.shape_cast %swap3A_255 : vector<1x16xf32> to vector<16xf32>
      %swap3A_257 = vector.shape_cast %gather3A_252 : vector<16xf32> to vector<1x16xf32>
      tpu.vector_store %arg7[%swap3A_253, %swap3A_254], %swap3A_257 {strides = array<i32>} : memref<100x128xf32, #tpu.memory_space<vmem>>, vector<1x16xf32>,
    }
    %scan3A_75 = arith.constant 100 : i32
    %add3A_76 = arith.constant 256 : i32
    %add3A_77 = arith.addi %mul3A_2, %add3A_76 : i32
    %dma_start3A_78 = arith.constant 0 : i32
    %dma_start3A_79 = tpu.memref_slice %arg4[%dma_start3A_78, %add3A_77] : memref<100x16384xf32, #tpu.memory_space<hbm>> -> memref<100x128xf32, #tpu.memory_space<hbm>>
    %dma_start3A_80 = arith.constant 0 : i32
    %dma_start3A_81 = tpu.memref_slice %arg4[%dma_start3A_80, %add3A_77] : memref<100x16384xf32, #tpu.memory_space<hbm>> -> memref<100x128xf32, #tpu.memory_space<hbm>>
    tpu.enqueue_dma source(%arg7 : memref<100x128xf32, #tpu.memory_space<vmem>>) target(%dma_start3A_81 : memref<100x128xf32, #tpu.memory_space<hbm>>) target_semaphore(%arg12 : memref<!tpu.dma_semaphore, #tpu.memory_space<semaphore_mem>>)
    %dma_wait3A_82 = arith.constant 0 : i32
    %dma_wait3A_83 = tpu.memref_slice %arg2[%dma_wait3A_82, %add3A_57] : memref<100x16384xi32, #tpu.memory_space<hbm>> -> memref<100x128xi32, #tpu.memory_space<hbm>>
    %dma_wait3A_84 = arith.constant 0 : i32
    %dma_wait3A_85 = tpu.memref_slice %arg2[%dma_wait3A_84, %add3A_57] : memref<100x16384xi32, #tpu.memory_space<hbm>> -> memref<100x128xi32, #tpu.memory_space<hbm>>
    tpu.wait_dma2 semaphore(%arg11 : memref<!tpu.dma_semaphore, #tpu.memory_space<semaphore_mem>>) src(%dma_wait3A_85 : memref<100x128xi32, #tpu.memory_space<hbm>>) dst(%arg6 : memref<100x128xi32, #tpu.memory_space<vmem>>)
    %dma_wait3A_86 = arith.constant 0 : i32
    %dma_wait3A_87 = tpu.memref_slice %arg4[%dma_wait3A_86, %add3A_51] : memref<100x16384xf32, #tpu.memory_space<hbm>> -> memref<100x128xf32, #tpu.memory_space<hbm>>
    %dma_wait3A_88 = arith.constant 0 : i32
    %dma_wait3A_89 = tpu.memref_slice %arg4[%dma_wait3A_88, %add3A_51] : memref<100x16384xf32, #tpu.memory_space<hbm>> -> memref<100x128xf32, #tpu.memory_space<hbm>>
    tpu.wait_dma2 semaphore(%arg13 : memref<!tpu.dma_semaphore, #tpu.memory_space<semaphore_mem>>) src(%arg8 : memref<100x128xf32, #tpu.memory_space<vmem>>) dst(%dma_wait3A_89 : memref<100x128xf32, #tpu.memory_space<hbm>>)
    %scan3A_90 = arith.constant 0 : i32
    %scan3A_91 = arith.constant 0 : i32
    %scan3A_92 = arith.constant 100 : i32
    %scan3A_93 = arith.addi %scan3A_91, %scan3A_92 : i32
    %scan3A_94 = arith.constant 1 : i32
    scf.for %scan3A_110 = %scan3A_91 to %scan3A_93 step %scan3A_94  : i32 {
      %get3A_111 = arith.index_cast %scan3A_110 : i32 to index
      %get3A_112 = arith.constant 0 : index
      %get3A_113 = tpu.vector_load %arg6[%get3A_111, %get3A_112] {strides = array<i32>} : memref<100x128xi32, #tpu.memory_space<vmem>>, vector<1x16xi32>,
      %get3A_114 = vector.shape_cast %get3A_113 : vector<1x16xi32> to vector<16xi32>
      %lt3A = arith.constant 0 : i32
      %lt3A_115 = vector.broadcast %lt3A : i32 to vector<16xi32>
      %lt3A_116 = arith.cmpi slt, %get3A_114, %lt3A_115 : vector<16xi32>
      %add3A_117 = arith.constant 16 : i32
      %add3A_118 = vector.broadcast %add3A_117 : i32 to vector<16xi32>
      %add3A_119 = arith.addi %get3A_114, %add3A_118 : vector<16xi32>
      %select_n3A = arith.select %lt3A_116, %add3A_119, %get3A_114 : vector<16xi1>, vector<16xi32>
      %broadcast_in_dim3A = vector.shape_cast %select_n3A : vector<16xi32> to vector<16x1xi32>
      %gather3A = vector.shape_cast %broadcast_in_dim3A : vector<16x1xi32> to vector<16xi32>
      %gather3A_120 = tpu.dynamic_gather %div3A[%gather3A] in [0] : vector<16xf32>, vector<16xi32> -> vector<16xf32>
      %swap3A = arith.index_cast %scan3A_110 : i32 to index
      %swap3A_121 = arith.constant 0 : index
      %swap3A_122 = tpu.vector_load %arg8[%swap3A, %swap3A_121] {strides = array<i32>} : memref<100x128xf32, #tpu.memory_space<vmem>>, vector<1x16xf32>,
      %swap3A_123 = vector.shape_cast %swap3A_122 : vector<1x16xf32> to vector<16xf32>
      %swap3A_124 = vector.shape_cast %gather3A_120 : vector<16xf32> to vector<1x16xf32>
      tpu.vector_store %arg8[%swap3A, %swap3A_121], %swap3A_124 {strides = array<i32>} : memref<100x128xf32, #tpu.memory_space<vmem>>, vector<1x16xf32>,
      %get3A_125 = arith.index_cast %scan3A_110 : i32 to index
      %get3A_126 = arith.constant 16 : index
      %get3A_127 = tpu.vector_load %arg6[%get3A_125, %get3A_126] {strides = array<i32>} : memref<100x128xi32, #tpu.memory_space<vmem>>, vector<1x16xi32>,
      %get3A_128 = vector.shape_cast %get3A_127 : vector<1x16xi32> to vector<16xi32>
      %lt3A_129 = arith.constant 0 : i32
      %lt3A_130 = vector.broadcast %lt3A_129 : i32 to vector<16xi32>
      %lt3A_131 = arith.cmpi slt, %get3A_128, %lt3A_130 : vector<16xi32>
      %add3A_132 = arith.constant 16 : i32
      %add3A_133 = vector.broadcast %add3A_132 : i32 to vector<16xi32>
      %add3A_134 = arith.addi %get3A_128, %add3A_133 : vector<16xi32>
      %select_n3A_135 = arith.select %lt3A_131, %add3A_134, %get3A_128 : vector<16xi1>, vector<16xi32>
      %broadcast_in_dim3A_136 = vector.shape_cast %select_n3A_135 : vector<16xi32> to vector<16x1xi32>
      %gather3A_137 = vector.shape_cast %broadcast_in_dim3A_136 : vector<16x1xi32> to vector<16xi32>
      %gather3A_138 = tpu.dynamic_gather %div3A[%gather3A_137] in [0] : vector<16xf32>, vector<16xi32> -> vector<16xf32>
      %swap3A_139 = arith.index_cast %scan3A_110 : i32 to index
      %swap3A_140 = arith.constant 16 : index
      %swap3A_141 = tpu.vector_load %arg8[%swap3A_139, %swap3A_140] {strides = array<i32>} : memref<100x128xf32, #tpu.memory_space<vmem>>, vector<1x16xf32>,
      %swap3A_142 = vector.shape_cast %swap3A_141 : vector<1x16xf32> to vector<16xf32>
      %swap3A_143 = vector.shape_cast %gather3A_138 : vector<16xf32> to vector<1x16xf32>
      tpu.vector_store %arg8[%swap3A_139, %swap3A_140], %swap3A_143 {strides = array<i32>} : memref<100x128xf32, #tpu.memory_space<vmem>>, vector<1x16xf32>,
      %get3A_144 = arith.index_cast %scan3A_110 : i32 to index
      %get3A_145 = arith.constant 32 : index
      %get3A_146 = tpu.vector_load %arg6[%get3A_144, %get3A_145] {strides = array<i32>} : memref<100x128xi32, #tpu.memory_space<vmem>>, vector<1x16xi32>,
      %get3A_147 = vector.shape_cast %get3A_146 : vector<1x16xi32> to vector<16xi32>
      %lt3A_148 = arith.constant 0 : i32
      %lt3A_149 = vector.broadcast %lt3A_148 : i32 to vector<16xi32>
      %lt3A_150 = arith.cmpi slt, %get3A_147, %lt3A_149 : vector<16xi32>
      %add3A_151 = arith.constant 16 : i32
      %add3A_152 = vector.broadcast %add3A_151 : i32 to vector<16xi32>
      %add3A_153 = arith.addi %get3A_147, %add3A_152 : vector<16xi32>
      %select_n3A_154 = arith.select %lt3A_150, %add3A_153, %get3A_147 : vector<16xi1>, vector<16xi32>
      %broadcast_in_dim3A_155 = vector.shape_cast %select_n3A_154 : vector<16xi32> to vector<16x1xi32>
      %gather3A_156 = vector.shape_cast %broadcast_in_dim3A_155 : vector<16x1xi32> to vector<16xi32>
      %gather3A_157 = tpu.dynamic_gather %div3A[%gather3A_156] in [0] : vector<16xf32>, vector<16xi32> -> vector<16xf32>
      %swap3A_158 = arith.index_cast %scan3A_110 : i32 to index
      %swap3A_159 = arith.constant 32 : index
      %swap3A_160 = tpu.vector_load %arg8[%swap3A_158, %swap3A_159] {strides = array<i32>} : memref<100x128xf32, #tpu.memory_space<vmem>>, vector<1x16xf32>,
      %swap3A_161 = vector.shape_cast %swap3A_160 : vector<1x16xf32> to vector<16xf32>
      %swap3A_162 = vector.shape_cast %gather3A_157 : vector<16xf32> to vector<1x16xf32>
      tpu.vector_store %arg8[%swap3A_158, %swap3A_159], %swap3A_162 {strides = array<i32>} : memref<100x128xf32, #tpu.memory_space<vmem>>, vector<1x16xf32>,
      %get3A_163 = arith.index_cast %scan3A_110 : i32 to index
      %get3A_164 = arith.constant 48 : index
      %get3A_165 = tpu.vector_load %arg6[%get3A_163, %get3A_164] {strides = array<i32>} : memref<100x128xi32, #tpu.memory_space<vmem>>, vector<1x16xi32>,
      %get3A_166 = vector.shape_cast %get3A_165 : vector<1x16xi32> to vector<16xi32>
      %lt3A_167 = arith.constant 0 : i32
      %lt3A_168 = vector.broadcast %lt3A_167 : i32 to vector<16xi32>
      %lt3A_169 = arith.cmpi slt, %get3A_166, %lt3A_168 : vector<16xi32>
      %add3A_170 = arith.constant 16 : i32
      %add3A_171 = vector.broadcast %add3A_170 : i32 to vector<16xi32>
      %add3A_172 = arith.addi %get3A_166, %add3A_171 : vector<16xi32>
      %select_n3A_173 = arith.select %lt3A_169, %add3A_172, %get3A_166 : vector<16xi1>, vector<16xi32>
      %broadcast_in_dim3A_174 = vector.shape_cast %select_n3A_173 : vector<16xi32> to vector<16x1xi32>
      %gather3A_175 = vector.shape_cast %broadcast_in_dim3A_174 : vector<16x1xi32> to vector<16xi32>
      %gather3A_176 = tpu.dynamic_gather %div3A[%gather3A_175] in [0] : vector<16xf32>, vector<16xi32> -> vector<16xf32>
      %swap3A_177 = arith.index_cast %scan3A_110 : i32 to index
      %swap3A_178 = arith.constant 48 : index
      %swap3A_179 = tpu.vector_load %arg8[%swap3A_177, %swap3A_178] {strides = array<i32>} : memref<100x128xf32, #tpu.memory_space<vmem>>, vector<1x16xf32>,
      %swap3A_180 = vector.shape_cast %swap3A_179 : vector<1x16xf32> to vector<16xf32>
      %swap3A_181 = vector.shape_cast %gather3A_176 : vector<16xf32> to vector<1x16xf32>
      tpu.vector_store %arg8[%swap3A_177, %swap3A_178], %swap3A_181 {strides = array<i32>} : memref<100x128xf32, #tpu.memory_space<vmem>>, vector<1x16xf32>,
      %get3A_182 = arith.index_cast %scan3A_110 : i32 to index
      %get3A_183 = arith.constant 64 : index
      %get3A_184 = tpu.vector_load %arg6[%get3A_182, %get3A_183] {strides = array<i32>} : memref<100x128xi32, #tpu.memory_space<vmem>>, vector<1x16xi32>,
      %get3A_185 = vector.shape_cast %get3A_184 : vector<1x16xi32> to vector<16xi32>
      %lt3A_186 = arith.constant 0 : i32
      %lt3A_187 = vector.broadcast %lt3A_186 : i32 to vector<16xi32>
      %lt3A_188 = arith.cmpi slt, %get3A_185, %lt3A_187 : vector<16xi32>
      %add3A_189 = arith.constant 16 : i32
      %add3A_190 = vector.broadcast %add3A_189 : i32 to vector<16xi32>
      %add3A_191 = arith.addi %get3A_185, %add3A_190 : vector<16xi32>
      %select_n3A_192 = arith.select %lt3A_188, %add3A_191, %get3A_185 : vector<16xi1>, vector<16xi32>
      %broadcast_in_dim3A_193 = vector.shape_cast %select_n3A_192 : vector<16xi32> to vector<16x1xi32>
      %gather3A_194 = vector.shape_cast %broadcast_in_dim3A_193 : vector<16x1xi32> to vector<16xi32>
      %gather3A_195 = tpu.dynamic_gather %div3A[%gather3A_194] in [0] : vector<16xf32>, vector<16xi32> -> vector<16xf32>
      %swap3A_196 = arith.index_cast %scan3A_110 : i32 to index
      %swap3A_197 = arith.constant 64 : index
      %swap3A_198 = tpu.vector_load %arg8[%swap3A_196, %swap3A_197] {strides = array<i32>} : memref<100x128xf32, #tpu.memory_space<vmem>>, vector<1x16xf32>,
      %swap3A_199 = vector.shape_cast %swap3A_198 : vector<1x16xf32> to vector<16xf32>
      %swap3A_200 = vector.shape_cast %gather3A_195 : vector<16xf32> to vector<1x16xf32>
      tpu.vector_store %arg8[%swap3A_196, %swap3A_197], %swap3A_200 {strides = array<i32>} : memref<100x128xf32, #tpu.memory_space<vmem>>, vector<1x16xf32>,
      %get3A_201 = arith.index_cast %scan3A_110 : i32 to index
      %get3A_202 = arith.constant 80 : index
      %get3A_203 = tpu.vector_load %arg6[%get3A_201, %get3A_202] {strides = array<i32>} : memref<100x128xi32, #tpu.memory_space<vmem>>, vector<1x16xi32>,
      %get3A_204 = vector.shape_cast %get3A_203 : vector<1x16xi32> to vector<16xi32>
      %lt3A_205 = arith.constant 0 : i32
      %lt3A_206 = vector.broadcast %lt3A_205 : i32 to vector<16xi32>
      %lt3A_207 = arith.cmpi slt, %get3A_204, %lt3A_206 : vector<16xi32>
      %add3A_208 = arith.constant 16 : i32
      %add3A_209 = vector.broadcast %add3A_208 : i32 to vector<16xi32>
      %add3A_210 = arith.addi %get3A_204, %add3A_209 : vector<16xi32>
      %select_n3A_211 = arith.select %lt3A_207, %add3A_210, %get3A_204 : vector<16xi1>, vector<16xi32>
      %broadcast_in_dim3A_212 = vector.shape_cast %select_n3A_211 : vector<16xi32> to vector<16x1xi32>
      %gather3A_213 = vector.shape_cast %broadcast_in_dim3A_212 : vector<16x1xi32> to vector<16xi32>
      %gather3A_214 = tpu.dynamic_gather %div3A[%gather3A_213] in [0] : vector<16xf32>, vector<16xi32> -> vector<16xf32>
      %swap3A_215 = arith.index_cast %scan3A_110 : i32 to index
      %swap3A_216 = arith.constant 80 : index
      %swap3A_217 = tpu.vector_load %arg8[%swap3A_215, %swap3A_216] {strides = array<i32>} : memref<100x128xf32, #tpu.memory_space<vmem>>, vector<1x16xf32>,
      %swap3A_218 = vector.shape_cast %swap3A_217 : vector<1x16xf32> to vector<16xf32>
      %swap3A_219 = vector.shape_cast %gather3A_214 : vector<16xf32> to vector<1x16xf32>
      tpu.vector_store %arg8[%swap3A_215, %swap3A_216], %swap3A_219 {strides = array<i32>} : memref<100x128xf32, #tpu.memory_space<vmem>>, vector<1x16xf32>,
      %get3A_220 = arith.index_cast %scan3A_110 : i32 to index
      %get3A_221 = arith.constant 96 : index
      %get3A_222 = tpu.vector_load %arg6[%get3A_220, %get3A_221] {strides = array<i32>} : memref<100x128xi32, #tpu.memory_space<vmem>>, vector<1x16xi32>,
      %get3A_223 = vector.shape_cast %get3A_222 : vector<1x16xi32> to vector<16xi32>
      %lt3A_224 = arith.constant 0 : i32
      %lt3A_225 = vector.broadcast %lt3A_224 : i32 to vector<16xi32>
      %lt3A_226 = arith.cmpi slt, %get3A_223, %lt3A_225 : vector<16xi32>
      %add3A_227 = arith.constant 16 : i32
      %add3A_228 = vector.broadcast %add3A_227 : i32 to vector<16xi32>
      %add3A_229 = arith.addi %get3A_223, %add3A_228 : vector<16xi32>
      %select_n3A_230 = arith.select %lt3A_226, %add3A_229, %get3A_223 : vector<16xi1>, vector<16xi32>
      %broadcast_in_dim3A_231 = vector.shape_cast %select_n3A_230 : vector<16xi32> to vector<16x1xi32>
      %gather3A_232 = vector.shape_cast %broadcast_in_dim3A_231 : vector<16x1xi32> to vector<16xi32>
      %gather3A_233 = tpu.dynamic_gather %div3A[%gather3A_232] in [0] : vector<16xf32>, vector<16xi32> -> vector<16xf32>
      %swap3A_234 = arith.index_cast %scan3A_110 : i32 to index
      %swap3A_235 = arith.constant 96 : index
      %swap3A_236 = tpu.vector_load %arg8[%swap3A_234, %swap3A_235] {strides = array<i32>} : memref<100x128xf32, #tpu.memory_space<vmem>>, vector<1x16xf32>,
      %swap3A_237 = vector.shape_cast %swap3A_236 : vector<1x16xf32> to vector<16xf32>
      %swap3A_238 = vector.shape_cast %gather3A_233 : vector<16xf32> to vector<1x16xf32>
      tpu.vector_store %arg8[%swap3A_234, %swap3A_235], %swap3A_238 {strides = array<i32>} : memref<100x128xf32, #tpu.memory_space<vmem>>, vector<1x16xf32>,
      %get3A_239 = arith.index_cast %scan3A_110 : i32 to index
      %get3A_240 = arith.constant 112 : index
      %get3A_241 = tpu.vector_load %arg6[%get3A_239, %get3A_240] {strides = array<i32>} : memref<100x128xi32, #tpu.memory_space<vmem>>, vector<1x16xi32>,
      %get3A_242 = vector.shape_cast %get3A_241 : vector<1x16xi32> to vector<16xi32>
      %lt3A_243 = arith.constant 0 : i32
      %lt3A_244 = vector.broadcast %lt3A_243 : i32 to vector<16xi32>
      %lt3A_245 = arith.cmpi slt, %get3A_242, %lt3A_244 : vector<16xi32>
      %add3A_246 = arith.constant 16 : i32
      %add3A_247 = vector.broadcast %add3A_246 : i32 to vector<16xi32>
      %add3A_248 = arith.addi %get3A_242, %add3A_247 : vector<16xi32>
      %select_n3A_249 = arith.select %lt3A_245, %add3A_248, %get3A_242 : vector<16xi1>, vector<16xi32>
      %broadcast_in_dim3A_250 = vector.shape_cast %select_n3A_249 : vector<16xi32> to vector<16x1xi32>
      %gather3A_251 = vector.shape_cast %broadcast_in_dim3A_250 : vector<16x1xi32> to vector<16xi32>
      %gather3A_252 = tpu.dynamic_gather %div3A[%gather3A_251] in [0] : vector<16xf32>, vector<16xi32> -> vector<16xf32>
      %swap3A_253 = arith.index_cast %scan3A_110 : i32 to index
      %swap3A_254 = arith.constant 112 : index
      %swap3A_255 = tpu.vector_load %arg8[%swap3A_253, %swap3A_254] {strides = array<i32>} : memref<100x128xf32, #tpu.memory_space<vmem>>, vector<1x16xf32>,
      %swap3A_256 = vector.shape_cast %swap3A_255 : vector<1x16xf32> to vector<16xf32>
      %swap3A_257 = vector.shape_cast %gather3A_252 : vector<16xf32> to vector<1x16xf32>
      tpu.vector_store %arg8[%swap3A_253, %swap3A_254], %swap3A_257 {strides = array<i32>} : memref<100x128xf32, #tpu.memory_space<vmem>>, vector<1x16xf32>,
    }
    %scan3A_95 = arith.constant 100 : i32
    %add3A_96 = arith.constant 384 : i32
    %add3A_97 = arith.addi %mul3A_2, %add3A_96 : i32
    %dma_start3A_98 = arith.constant 0 : i32
    %dma_start3A_99 = tpu.memref_slice %arg4[%dma_start3A_98, %add3A_97] : memref<100x16384xf32, #tpu.memory_space<hbm>> -> memref<100x128xf32, #tpu.memory_space<hbm>>
    %dma_start3A_100 = arith.constant 0 : i32
    %dma_start3A_101 = tpu.memref_slice %arg4[%dma_start3A_100, %add3A_97] : memref<100x16384xf32, #tpu.memory_space<hbm>> -> memref<100x128xf32, #tpu.memory_space<hbm>>
    tpu.enqueue_dma source(%arg8 : memref<100x128xf32, #tpu.memory_space<vmem>>) target(%dma_start3A_101 : memref<100x128xf32, #tpu.memory_space<hbm>>) target_semaphore(%arg13 : memref<!tpu.dma_semaphore, #tpu.memory_space<semaphore_mem>>)
    %dma_wait3A_102 = arith.constant 0 : i32
    %dma_wait3A_103 = tpu.memref_slice %arg4[%dma_wait3A_102, %add3A_77] : memref<100x16384xf32, #tpu.memory_space<hbm>> -> memref<100x128xf32, #tpu.memory_space<hbm>>
    %dma_wait3A_104 = arith.constant 0 : i32
    %dma_wait3A_105 = tpu.memref_slice %arg4[%dma_wait3A_104, %add3A_77] : memref<100x16384xf32, #tpu.memory_space<hbm>> -> memref<100x128xf32, #tpu.memory_space<hbm>>
    tpu.wait_dma2 semaphore(%arg12 : memref<!tpu.dma_semaphore, #tpu.memory_space<semaphore_mem>>) src(%arg7 : memref<100x128xf32, #tpu.memory_space<vmem>>) dst(%dma_wait3A_105 : memref<100x128xf32, #tpu.memory_space<hbm>>)
    %dma_wait3A_106 = arith.constant 0 : i32
    %dma_wait3A_107 = tpu.memref_slice %arg4[%dma_wait3A_106, %add3A_97] : memref<100x16384xf32, #tpu.memory_space<hbm>> -> memref<100x128xf32, #tpu.memory_space<hbm>>
    %dma_wait3A_108 = arith.constant 0 : i32
    %dma_wait3A_109 = tpu.memref_slice %arg4[%dma_wait3A_108, %add3A_97] : memref<100x16384xf32, #tpu.memory_space<hbm>> -> memref<100x128xf32, #tpu.memory_space<hbm>>
    tpu.wait_dma2 semaphore(%arg13 : memref<!tpu.dma_semaphore, #tpu.memory_space<semaphore_mem>>) src(%arg8 : memref<100x128xf32, #tpu.memory_space<vmem>>) dst(%dma_wait3A_109 : memref<100x128xf32, #tpu.memory_space<hbm>>)
    return
  }
}

</mosaic_0001>

<sc_bundles>
// kernel: _run.3.cloned.1.call-start
scs
__scs_entry_jumppad:
0x0: {  	(pc) =	sbr.rel $0x88, $3  }
0x1: {  	(tag) =	ssettag $0x0;
	lr =	simm.s32 $0x1  }
0x2: {  	[smem:$0x3F9F] =	sst lr;
	_ =	strace $0xD0000000  }
0x3: {  	_ = 	snop  }
0x4: {  	_ = 	snop  }
0x5: {  	_ = 	snop  }
0x6: {  	_ = 	snop  }
0x7: {  	_ = 	snop  }
__scs_overlays_trampoline_lowered:
0x8: {  	[smem:$0x3FAE] =	sst s0  }
0x9: {  	[smem:$0x3FAF] =	sst s1  }
0xa: {  	[smem:$0x3FB0] =	sst s2  }
0xb: {  	[smem:$0x3FB1] =	sst s3  }
0xc: {  	[smem:$0x3FB2] =	sst s4  }
0xd: {  	[smem:$0x3FB3] =	sst s5  }
0xe: {  	[smem:$0x3FB4] =	sst s6  }
0xf: {  	[smem:$0x3FB5] =	sst s7  }
0x10: {  	[smem:$0x3FB6] =	sst s8  }
0x11: {  	[smem:$0x3FB7] =	sst s9;
	s0 =	simm.s32 @!p0 $0x0  }
0x12: {  	s1 =	sld [smem:$0x3F9D];
	s0 =	simm.s32 @p0 $0x1  }
0x13: {  	[smem:$0x3FB8] =	sst s0;
	s0 =	simm.s32 @!p1 $0x0  }
0x14: {  	s2 =	sld [smem:$0x3F9C];
	s0 =	simm.s32 @p1 $0x1  }
0x15: {  	[smem:$0x3FB9] =	sst s0;
	s0 =	simm.s32 @!p2 $0x0  }
0x16: {  	s3 =	sld [smem:$0x3FDB];
	s0 =	simm.s32 @p2 $0x1  }
0x17: {  	s4 =	simm.s32 $0x1BF5;
	[smem:$0x3FBB] =	sst s0  }
0x18: {  	s0 =	sld [smem:$0x3F9E];
	_ =	swait.ge [sflag:s4], $0x0  }
0x19: {  	s7 =	sld [smem:$0x3F9F]  }
0x1a: {  	s8 =	sadd.s32 $0xFFFFE003, lr  }
0x1b: {  	s9 =	sadd.s32 $0xFFFFFEF7, lr;
	s5 =	simm.s32 $0xFFFFFFFF;
	p2 =	slt.u32 s8, $0xFFFFF086  }
0x1c: {  	p1 =	slt.u32 s9, $0xF7A;
	s5 =	simm.s32 @!p2 $0x0  }
0x1d: {  	s5 =	simm.s32 @p1 $0x1;
	p0 =	seq.s32 s7, s2  }
0x1e: {  	s7 =	smul.u32 @!p0 $0xF7A, s2;
	p2 =	seq.s32 @!p0 s5, $0x0  }
0x1f: {  	s9 =	smul.u32 $0xF7A, s1;
	s8 =	simm.s32 @!p0 $0x1BF5;
	p2 =	por !p2, p0  }
0x20: {  	[sflag:s8] =	ssyncset.s32 @!p0 $0xFFFFF086;
	s6 =	sadd.s32 @!p0 s3, s7;
	s7 =	simm.s32 @!p0 $0x108  }
0x21: {  	s3 =	sadd.s32 s3, s9;
	s6 =	sadd.s32 @!p0 $0x88, s6;
	s7 =	simm.s32 @p2 $0x1082  }
0x22: {  	[simem:s7], [sflag:s8] =	dma.local @!p0 [hbm:s6], $0xF7A  }
0x23: {  	s9 =	sor.u32 $0xD0000000, s2;
	s6 =	simm.s32 $0x108;
	_ =	swait.ge @!p0 [sflag:s8], $0x0  }
0x24: {  	s3 =	sadd.s32 $0x88, s3;
	s6 =	simm.s32 @!p1 $0x1082;
	[sflag:s4] =	ssyncset.s32 $0xFFFFF086  }
0x25: {  	[simem:s6], [sflag:s4] =	dma.local [hbm:s3], $0xF7A  }
0x26: {  	[smem:$0x3F9F] =	sst s1;
	(tag) =	ssettag s2;
	_ =	strace s9  }
0x27: {  	s1 =	sld [smem:$0x3FAF]  }
0x28: {  	s2 =	sld [smem:$0x3FB0]  }
0x29: {  	s4 =	sld [smem:$0x3FB2]  }
0x2a: {  	p0 =	seq.s32 s5, $0x0;
	s5 =	sld [smem:$0x3FB3]  }
0x2b: {  	s6 =	sld [smem:$0x3FB4]  }
0x2c: {  	s7 =	sld [smem:$0x3FB5]  }
0x2d: {  	s3 =	simm.s32 $0x108;
	s8 =	sld [smem:$0x3FB6]  }
0x2e: {  	s3 =	simm.s32 @!p0 $0x1082;
	s9 =	sld [smem:$0x3FB7]  }
0x2f: {  	lr =	sadd.s32 s0, s3;
	s0 =	sld [smem:$0x3FAE]  }
0x30: {  	s3 =	sld [smem:$0x3FB1]  }
0x31: {  	[smem:$0x3FBA] =	sst s10  }
0x32: {  	s10 =	sld [smem:$0x3FB8];
	_ =	sdelay $0x3  }
0x33: {  	p0 =	seq.s32 s10, $0x1;
	s10 =	sld [smem:$0x3FBA];
	_ =	sdelay $0x3  }
0x34: {  	[smem:$0x3FBA] =	sst s10  }
0x35: {  	s10 =	sld [smem:$0x3FB9];
	_ =	sdelay $0x3  }
0x36: {  	p1 =	seq.s32 s10, $0x1;
	s10 =	sld [smem:$0x3FBA];
	_ =	sdelay $0x3  }
0x37: {  	[smem:$0x3FBA] =	sst s10  }
0x38: {  	s10 =	sld [smem:$0x3FBB]  }
0x39: {  	_ = 	snop;
	(pc) =	sbr.ind lr, $3  }
0x3a: {  	_ = 	snop  }
0x3b: {  	_ = 	snop  }
0x3c: {  	p2 =	seq.s32 s10, $0x1;
	s10 =	sld [smem:$0x3FBA]  }
0x3d: {  	_ =	shalt  }
0x3e: {  	_ =	shalt  }
0x3f: {  	_ =	shalt  }
0x40: {  	_ =	shalt  }
0x41: {  	_ =	shalt  }
0x42: {  	_ =	shalt  }
0x43: {  	_ =	shalt  }
0x44: {  	_ =	shalt  }
0x45: {  	_ =	shalt  }
0x46: {  	_ =	shalt  }
0x47: {  	_ =	shalt  }
0x48: {  	_ =	shalt  }
0x49: {  	_ =	shalt  }
0x4a: {  	_ =	shalt  }
0x4b: {  	_ =	shalt  }
0x4c: {  	_ =	shalt  }
0x4d: {  	_ =	shalt  }
0x4e: {  	_ =	shalt  }
0x4f: {  	_ =	shalt  }
0x50: {  	_ =	shalt  }
0x51: {  	_ =	shalt  }
0x52: {  	_ =	shalt  }
0x53: {  	_ =	shalt  }
0x54: {  	_ =	shalt  }
0x55: {  	_ =	shalt  }
0x56: {  	_ =	shalt  }
0x57: {  	_ =	shalt  }
0x58: {  	_ =	shalt  }
0x59: {  	_ =	shalt  }
0x5a: {  	_ =	shalt  }
0x5b: {  	_ =	shalt  }
0x5c: {  	_ =	shalt  }
0x5d: {  	_ =	shalt  }
0x5e: {  	_ =	shalt  }
0x5f: {  	_ =	shalt  }
0x60: {  	_ =	shalt  }
0x61: {  	_ =	shalt  }
0x62: {  	_ =	shalt  }
0x63: {  	_ =	shalt  }
0x64: {  	_ =	shalt  }
0x65: {  	_ =	shalt  }
0x66: {  	_ =	shalt  }
0x67: {  	_ =	shalt  }
0x68: {  	_ =	shalt  }
0x69: {  	_ =	shalt  }
0x6a: {  	_ =	shalt  }
0x6b: {  	_ =	shalt  }
0x6c: {  	_ =	shalt  }
0x6d: {  	_ =	shalt  }
0x6e: {  	_ =	shalt  }
0x6f: {  	_ =	shalt  }
0x70: {  	_ =	shalt  }
0x71: {  	_ =	shalt  }
0x72: {  	_ =	shalt  }
0x73: {  	_ =	shalt  }
0x74: {  	_ =	shalt  }
0x75: {  	_ =	shalt  }
0x76: {  	_ =	shalt  }
0x77: {  	_ =	shalt  }
0x78: {  	_ =	shalt  }
0x79: {  	_ =	shalt  }
0x7a: {  	_ =	shalt  }
0x7b: {  	_ =	shalt  }
0x7c: {  	_ =	shalt  }
0x7d: {  	_ =	shalt  }
0x7e: {  	_ =	shalt  }
0x7f: {  	_ =	shalt  }
0x80: {  	_ =	shalt  }
0x81: {  	_ =	shalt  }
0x82: {  	_ =	shalt  }
0x83: {  	_ =	shalt  }
0x84: {  	_ =	shalt  }
0x85: {  	_ =	shalt  }
0x86: {  	_ =	shalt  }
0x87: {  	_ =	shalt  }
.Lfunc_end0:
.L_simem_size_0:
called_computation_lowered:
.L_overlay_start_0:
0x88: {  	s2 =	sld [smem:$0x3FD9]  }
0x89: {  	s3 =	sld [smem:$0x3FFE];
	_ =	sdelay $0x1  }
0x8a: {  	s1 =	srdreg.scid  }
0x8b: {  	s0 =	sand.u32 $0x1, s1  }
0x8c: {  	s18 =	sshll.u32 s0, $0xA;
	s2 =	sadd.s32 s3, s2  }
0x8d: {  	s2 =	sadd.s32 s2, s18  }
0x8e: {  	[smem:$0x3FC6] =	sst s2  }
0x8f: {  	_ = 	snop  }
0x90: {  	s2 =	sld [smem:$0x3FC9]  }
0x91: {  	s19 =	sld [smem:$0x3FC8]  }
0x92: {  	s4 =	sld [smem:$0x3FD0];
	(tm) =	ssettm $0x1  }
0x93: {  	s5 =	sld [smem:$0x3FFB];
	_ =	sdelay $0x3  }
0x94: {  	_ =	strace s5  }
0x95: {  	s5 =	sld [smem:$0x3FFC];
	_ =	sdelay $0x3  }
0x96: {  	_ =	strace s5  }
0x97: {  	s5 =	sld [smem:$0x3FFD];
	_ =	sdelay $0x3  }
0x98: {  	_ =	strace s5  }
0x99: {  	_ =	strace $0x8FFFFFFF  }
0x9a: {  	s20 =	sld [smem:$0x3FDB];
	_ =	sdelay $0x1  }
0x9b: {  	s6 =	simm.s32 $_scs_section_size  }
0x9c: {  	s7 =	simm.s32 $_size__tile_overlayer_lowered;
	s8 =	simm.s32 $_tile_overlayer_lowered  }
0x9d: {  	s23 =	simm.s32 $0x1BFF;
	s22 =	sshll.u32 s8, $0x1;
	s5 =	sadd.s32 s6, s20  }
0x9e: {  	s9 =	simm.s32 $0x0;
	s21 =	sshll.u32 s7, $0x1;
	s7 =	sadd.s32 s22, s5  }
0x9f: {  	[timem:s9], [sflag:s23] =	dma.local [hbm:s7], s21  }
0xa0: {  	_ =	swait.ge [sflag:s23], s21  }
0xa1: {  	s6 =	ssub.s32 $0x0, s21;
	[sflag:s23] =	ssyncset.done $0x0  }
0xa2: {  	[sflag:s23] =	ssyncadd.s32 s6;
	_ =	sdelay $0x1  }
0xa3: {  	s24 =	simm.s32 $0x1B8B  }
0xa4: {  	_ =	swait.ge [sflag:s24], $0x1  }
0xa5: {  	[sflag:s24] =	ssyncset.done $0x0  }
0xa6: {  	s25 =	simm.s32 $0x1B8E;
	[sflag:s24] =	ssyncadd.s32 $0xFFFFFFFF  }
0xa7: {  	s26 =	simm.s32 $execute0_lowered;
	[smem:$0x3FD2] =	sst s25  }
0xa8: {  	s6 =	sshll.u32 s26, $0x1;
	_ =	strace $0x80000046;
	[dreg:$0x1] =	wrdreg $0xFFFFFFFF  }
0xa9: {  	s28 =	simm.s32 $_size_execute0_lowered;
	s5 =	sadd.s32 s5, s6;
	[dreg:$0x0] =	wrdreg $0x0  }
0xaa: {  	s6 =	sshll.u32 s28, $0x1;
	[dreg:$0x2] =	wrdreg s5  }
0xab: {  	[dreg:$0x3] =	wrdreg s6  }
0xac: {  	[dreg:$0x4] =	wrdreg $0xC0  }
0xad: {  	_ =	task [dreg:s9], $0x5FFFF  }
0xae: {  	[dreg:$0x1] =	wrdreg $0xFFFFFFFF  }
0xaf: {  	[dreg:$0x0] =	wrdreg $0x60  }
0xb0: {  	[dreg:$0x2] =	wrdreg s2  }
0xb1: {  	[dreg:$0x3] =	wrdreg s19  }
0xb2: {  	[dreg:$0x4] =	wrdreg s4  }
0xb3: {  	[dreg:$0x5] =	wrdreg $0x9  }
0xb4: {  	_ =	task.clear_ibuf [dreg:s9], $0x6FFFF;
	_ =	strace $0x90000046  }
0xb5: {  	s29 =	simm.s32 $0x9;
	_ =	strace $0x80000048  }
0xb6: {  	_ =	swait.ge [sflag:s29], $0x1  }
0xb7: {  	[sflag:s29] =	ssyncadd.s32 $0xFFFFFFFF  }
0xb8: {  	_ =	strace $0x90000048  }
0xb9: {  	_ =	sfence  }
0xba: {  	s30 =	sld [smem:$0x0];
	_ =	sdelay $0x2  }
0xbb: {  	s31 =	sshll.u32 s1, $0xD;
	s1 =	sshrl.u32 s1, $0x2  }
0xbc: {  	s3 =	sand.u32 $0x4000, s31;
	s1 =	sadd.s32 s1, s30  }
0xbd: {  	s0 =	sor.u32 s3, s0;
	s1 =	sshll.u32 s1, $0x11  }
0xbe: {  	s0 =	sor.u32 s1, s0  }
0xbf: {  	s0 =	sadd.s32 $0x8F2B, s0  }
0xc0: {  	[sflag:s0] =	ssyncadd.remote.s32 $0x1  }
0xc1: {  	_ =	sfence.sel $0xFFFF  }
0xc2: {  	[dreg:$0x0] =	wrdreg $0xFFFFFFFF;
	(pc) =	sbr.abs _section_cstart, $3  }
0xc3: {  	[dreg:$0x1] =	wrdreg $0xFFFFFFFF  }
0xc4: {  	_ =	task.clear_ibuf [dreg:s9], $0x2FFFF;
	_ =	strace $0x9FFFFFFF  }
0xc5: {  	(tm) =	ssettm $0x7FFFFFFF  }
tec
execute0_lowered:
.L_overlay_start_1:
0x0: {  	(tag) =	ssettag $0x1  }
0x1: {  	s0 =	rddreg [dreg:$0x0]  }
0x2: {  	s1 =	rddreg [dreg:$0x2]  }
0x3: {  	s2 =	srdreg.scid;
	s4 =	stileid.u32;
	s3 =	simm.s32 $0x0  }
0x4: {  	s13 =	simm.s32 $0xD000;
	s14 =	simm.s32 $0x5;
	s15 =	simm.s32 $0x400  }
0x5: {  	s16 =	simm.s32 $0x20000;
	s18 =	simm.s32 $0x3000;
	s19 =	simm.s32 $0x3400  }
0x6: {  	s21 =	simm.s32 $0x6400;
	s22 =	simm.s32 $0x1;
	s23 =	simm.s32 $0x6800  }
0x7: {  	s24 =	simm.s32 $0x9800;
	s25 =	simm.s32 $0x2;
	s28 =	simm.s32 $0xCC00  }
0x8: {  	s29 =	simm.s32 $0x3;
	s30 =	simm.s32 $0x4;
	s2 =	sand.u32 $0x1, s2  }
0x9: {  	s31 =	simm.s32 $0x0;
	s4 =	sshll.u32 s4, $0xA;
	s5 =	sshll.u32 s2, $0x9  }
0xa: {  	[smem:$0x7FF] =	sst s3;
	s2 =	ssub.s32 $0x2, s2;
	s7 =	sor.u32 s5, s4  }
0xb: {  	_ =	strace $0x80000047;
	s26 =	sshrl.u32 s2, $0x1;
	s8 =	sor.u32 $0x80, s7  }
0xc: {  	s2 =	ssub.s32 s2, s26;
	s4 =	sadd.s32 s0, s7;
	s6 =	sadd.s32 s1, s7  }
0xd: {  	s10 =	sor.u32 $0x100, s7;
	s11 =	sor.u32 $0x180, s7;
	s26 =	simm.s32 $0x9C00  }
0xe: {  	s5 =	sadd.s32 s0, s8;
	s7 =	sadd.s32 s0, s10;
	s8 =	sadd.s32 s1, s8  }
0xf: {  	s9 =	sadd.s32 s0, s11;
	s10 =	sadd.s32 s1, s10;
	s11 =	sadd.s32 s1, s11  }
0x10: {  	s12 =	smax.u32 s2, $0x1;
	s17 =	sadd.s32 $0x30000, s4;
	s20 =	sadd.s32 $0x30000, s5  }
.LBB2_1:
0x11: {  	s0 =	rddreg [dreg:$0x1]  }
0x12: {  	[tilespmem:s13], [sflag:$0x5] =	stream.linear.gather [hbm4b:s0+s3], $0x80, $0x38;
	[tilespmem:$0xD080] =	vst v63  }
0x13: {  	_ =	swait.ge [sflag:s14], $0x80  }
0x14: {  	[sflag:s14] =	ssyncset.done $0x0  }
0x15: {  	[sflag:s14] =	ssyncadd.s32 $0xFFFFFF80  }
0x16: {  	v0 =	vld [tilespmem:$0xD000];
	_ =	sdelay $0x4  }
0x17: {  	v0 =	vadd.f32 v0, v0;
	_ =	sdelay $0x1  }
0x18: {  	v0 =	vmul.f32 $1.442695020e+00, v0;
	_ =	sdelay $0x1  }
0x19: {  	(erf) = vpow2.f32 v0;
	_ =	sdelay $0x8  }
0x1a: {  	v0 =	vpop (erf)  }
0x1b: {  	v1 =	vadd.f32 $1.000000000e+00, v0;
	_ =	sdelay $0x1  }
0x1c: {  	(erf) = vrcp.f32 v1;
	_ =	sdelay $0x2  }
0x1d: {  	[tilespmem:s3], [sflag:$0x1] =	stream.strided.gather [hbm4b:s4+s15], $0x3000, s16, s15, $0x38;
	[tilespmem:$0xD080] =	vst v63  }
0x1e: {  	_ = 	snop  }
0x1f: {  	[tilespmem:s18], [sflag:$0x1] =	stream.linear.gather [hbm4b:s17+s3], $0x200, $0x38;
	[tilespmem:$0xD080] =	vst v63  }
0x20: {  	_ = 	snop  }
0x21: {  	[tilespmem:s19], [sflag:$0x2] =	stream.strided.gather [hbm4b:s5+s15], $0x3000, s16, s15, $0x38;
	[tilespmem:$0xD080] =	vst v63  }
0x22: {  	_ = 	snop  }
0x23: {  	[tilespmem:s21], [sflag:$0x2] =	stream.linear.gather [hbm4b:s20+s3], $0x200, $0x38;
	v1 =	vpop (erf);
	[tilespmem:$0xD080] =	vst v63  }
0x24: {  	_ =	swait.ge [sflag:s22], $0x3200  }
0x25: {  	[sflag:s22] =	ssyncset.done $0x0  }
0x26: {  	s1 =	simm.s32 $0x0;
	[sflag:s22] =	ssyncadd.s32 $0xFFFFCE00  }
0x27: {  	v2 =	vld [tilespmem:s1+$0x70]  }
0x28: {  	v0 =	vadd.f32 $-1.000000000e+00, v0;
	v6 =	vld [tilespmem:s1+$0x0]  }
0x29: {  	v7 =	vld [tilespmem:s1+$0x10]  }
0x2a: {  	v0 =	vmul.f32 v1, v0;
	v5 =	vld [tilespmem:s1+$0x20]  }
0x2b: {  	v4 =	vld [tilespmem:s1+$0x30]  }
0x2c: {  	v1 =	vld [tilespmem:s1+$0x40];
	v8 =	vperm.xlane v0, v2  }
0x2d: {  	v2 =	vld [tilespmem:s1+$0x50];
	v6 =	vperm.xlane v0, v6  }
0x2e: {  	s2 =	simm.s32 $0x400;
	s0 =	simm.s32 $0x80;
	v3 =	vld [tilespmem:s1+$0x60];
	v7 =	vperm.xlane v0, v7;
	[tilespmem:s1+$0x6870] =	vst v8  }
.LBB2_2:
0x2f: {  	p0 =	sne.s32 s2, $0xC600;
	v8 =	vld [tilespmem:s0+$0x70];
	[tilespmem:s1+$0x6800] =	vst v6;
	v5 =	vperm.xlane v0, v5  }
0x30: {  	v6 =	vld [tilespmem:s0+$0x0];
	[tilespmem:s1+$0x6810] =	vst v7;
	v4 =	vperm.xlane v0, v4  }
0x31: {  	v7 =	vld [tilespmem:s0+$0x10];
	[tilespmem:s1+$0x6820] =	vst v5;
	v1 =	vperm.xlane v0, v1  }
.Ltmp0:
0x32: {  	v5 =	vld [tilespmem:s0+$0x20];
	[tilespmem:s1+$0x6830] =	vst v4;
	v2 =	vperm.xlane v0, v2;
	(pc) =	sbr.rel @p0 .LBB2_2-.Ltmp0, $4  }
0x33: {  	v4 =	vld [tilespmem:s0+$0x30];
	[tilespmem:s1+$0x6840] =	vst v1;
	v3 =	vperm.xlane v0, v3  }
0x34: {  	v1 =	vld [tilespmem:s0+$0x40];
	v8 =	vperm.xlane v0, v8;
	[tilespmem:s1+$0x6850] =	vst v2  }
0x35: {  	v6 =	vperm.xlane v0, v6;
	v2 =	vld [tilespmem:s0+$0x50];
	[tilespmem:s1+$0x6860] =	vst v3;
	s1 =	smov.u32 s0  }
0x36: {  	s0 =	sshra.s32 s2, $0x2;
	s2 =	sadd.s32 $0x200, s2;
	v7 =	vperm.xlane v0, v7;
	v3 =	vld [tilespmem:s1+$0x60];
	[tilespmem:s1+$0x6870] =	vst v8  }
0x37: {  	v8 =	vld [tilespmem:s0+$0x70];
	[tilespmem:s1+$0x6800] =	vst v6;
	v5 =	vperm.xlane v0, v5  }
0x38: {  	v6 =	vld [tilespmem:s0+$0x0];
	[tilespmem:s1+$0x6810] =	vst v7;
	v4 =	vperm.xlane v0, v4  }
0x39: {  	v7 =	vld [tilespmem:s0+$0x10];
	[tilespmem:s1+$0x6820] =	vst v5;
	v1 =	vperm.xlane v0, v1  }
0x3a: {  	v5 =	vld [tilespmem:s0+$0x20];
	[tilespmem:s1+$0x6830] =	vst v4;
	v2 =	vperm.xlane v0, v2  }
0x3b: {  	v4 =	vld [tilespmem:s0+$0x30];
	[tilespmem:s1+$0x6840] =	vst v1;
	v3 =	vperm.xlane v0, v3  }
0x3c: {  	v1 =	vld [tilespmem:s0+$0x40];
	[tilespmem:s1+$0x6850] =	vst v2;
	v8 =	vperm.xlane v0, v8  }
0x3d: {  	v2 =	vld [tilespmem:s0+$0x50];
	[tilespmem:s1+$0x6860] =	vst v3;
	v3 =	vperm.xlane v0, v6  }
0x3e: {  	v6 =	vld [tilespmem:s0+$0x60];
	v7 =	vperm.xlane v0, v7;
	[tilespmem:s0+$0x6870] =	vst v8  }
0x3f: {  	[tilespmem:s0+$0x6800] =	vst v3;
	v3 =	vperm.xlane v0, v5  }
0x40: {  	[tilespmem:s0+$0x6810] =	vst v7;
	v4 =	vperm.xlane v0, v4  }
0x41: {  	[tilespmem:s0+$0x6820] =	vst v3;
	v1 =	vperm.xlane v0, v1  }
0x42: {  	[tilespmem:s0+$0x6830] =	vst v4;
	v2 =	vperm.xlane v0, v2  }
0x43: {  	[tilespmem:s0+$0x6840] =	vst v1;
	v1 =	vperm.xlane v0, v6  }
0x44: {  	[tilespmem:s0+$0x6850] =	vst v2  }
0x45: {  	[tilespmem:s0+$0x6860] =	vst v1  }
0x46: {  	[hbm4b:s6+s15] =	stream.strided.scatter [tilespmem:s23], [sflag:$0x3], $0x3000, s16, s15, $0x38;
	[tilespmem:$0xD080] =	vst v63  }
0x47: {  	s2 =	sadd.s32 $0x30000, s6;
	s1 =	simm.s32 $0x0  }
0x48: {  	[hbm4b:s2+s1] =	stream.linear.scatter [tilespmem:s24], [sflag:$0x3], $0x200, $0x38;
	[tilespmem:$0xD080] =	vst v63  }
0x49: {  	_ = 	snop  }
0x4a: {  	[tilespmem:s1], [sflag:$0x1] =	stream.strided.gather [hbm4b:s7+s15], $0x3000, s16, s15, $0x38;
	[tilespmem:$0xD080] =	vst v63  }
0x4b: {  	s2 =	sadd.s32 $0x30000, s7  }
0x4c: {  	[tilespmem:s18], [sflag:$0x1] =	stream.linear.gather [hbm4b:s2+s1], $0x200, $0x38;
	[tilespmem:$0xD080] =	vst v63  }
0x4d: {  	_ =	swait.ge [sflag:s25], $0x3200  }
0x4e: {  	[sflag:s25] =	ssyncset.done $0x0  }
0x4f: {  	s1 =	simm.s32 $0x0;
	[sflag:s25] =	ssyncadd.s32 $0xFFFFCE00  }
0x50: {  	v2 =	vld [tilespmem:s1+$0x3470]  }
0x51: {  	v6 =	vld [tilespmem:s1+$0x3400]  }
0x52: {  	v7 =	vld [tilespmem:s1+$0x3410]  }
0x53: {  	v5 =	vld [tilespmem:s1+$0x3420]  }
0x54: {  	v4 =	vld [tilespmem:s1+$0x3430]  }
0x55: {  	v1 =	vld [tilespmem:s1+$0x3440];
	v8 =	vperm.xlane v0, v2  }
0x56: {  	v2 =	vld [tilespmem:s1+$0x3450];
	v6 =	vperm.xlane v0, v6  }
0x57: {  	s0 =	simm.s32 $0x80;
	s2 =	simm.s32 $0x400;
	v3 =	vld [tilespmem:s1+$0x3460];
	v7 =	vperm.xlane v0, v7;
	[tilespmem:s1+$0x9C70] =	vst v8  }
.LBB2_4:
0x58: {  	p0 =	sne.s32 s2, $0xC600;
	v8 =	vld [tilespmem:s0+$0x3470];
	[tilespmem:s1+$0x9C00] =	vst v6;
	v5 =	vperm.xlane v0, v5  }
0x59: {  	v6 =	vld [tilespmem:s0+$0x3400];
	[tilespmem:s1+$0x9C10] =	vst v7;
	v4 =	vperm.xlane v0, v4  }
0x5a: {  	v7 =	vld [tilespmem:s0+$0x3410];
	[tilespmem:s1+$0x9C20] =	vst v5;
	v1 =	vperm.xlane v0, v1  }
.Ltmp1:
0x5b: {  	v5 =	vld [tilespmem:s0+$0x3420];
	[tilespmem:s1+$0x9C30] =	vst v4;
	v2 =	vperm.xlane v0, v2;
	(pc) =	sbr.rel @p0 .LBB2_4-.Ltmp1, $4  }
0x5c: {  	v4 =	vld [tilespmem:s0+$0x3430];
	[tilespmem:s1+$0x9C40] =	vst v1;
	v3 =	vperm.xlane v0, v3  }
0x5d: {  	v1 =	vld [tilespmem:s0+$0x3440];
	v8 =	vperm.xlane v0, v8;
	[tilespmem:s1+$0x9C50] =	vst v2  }
0x5e: {  	v6 =	vperm.xlane v0, v6;
	v2 =	vld [tilespmem:s0+$0x3450];
	[tilespmem:s1+$0x9C60] =	vst v3;
	s1 =	smov.u32 s0  }
0x5f: {  	s0 =	sshra.s32 s2, $0x2;
	s2 =	sadd.s32 $0x200, s2;
	v7 =	vperm.xlane v0, v7;
	v3 =	vld [tilespmem:s1+$0x3460];
	[tilespmem:s1+$0x9C70] =	vst v8  }
0x60: {  	v8 =	vld [tilespmem:s0+$0x3470];
	[tilespmem:s1+$0x9C00] =	vst v6;
	v5 =	vperm.xlane v0, v5  }
0x61: {  	v6 =	vld [tilespmem:s0+$0x3400];
	[tilespmem:s1+$0x9C10] =	vst v7;
	v4 =	vperm.xlane v0, v4  }
0x62: {  	v7 =	vld [tilespmem:s0+$0x3410];
	[tilespmem:s1+$0x9C20] =	vst v5;
	v1 =	vperm.xlane v0, v1  }
0x63: {  	v5 =	vld [tilespmem:s0+$0x3420];
	[tilespmem:s1+$0x9C30] =	vst v4;
	v2 =	vperm.xlane v0, v2  }
0x64: {  	v4 =	vld [tilespmem:s0+$0x3430];
	[tilespmem:s1+$0x9C40] =	vst v1;
	v3 =	vperm.xlane v0, v3  }
0x65: {  	v1 =	vld [tilespmem:s0+$0x3440];
	[tilespmem:s1+$0x9C50] =	vst v2;
	v8 =	vperm.xlane v0, v8  }
0x66: {  	v2 =	vld [tilespmem:s0+$0x3450];
	[tilespmem:s1+$0x9C60] =	vst v3;
	v3 =	vperm.xlane v0, v6  }
0x67: {  	v6 =	vld [tilespmem:s0+$0x3460];
	v7 =	vperm.xlane v0, v7;
	[tilespmem:s0+$0x9C70] =	vst v8  }
0x68: {  	[tilespmem:s0+$0x9C00] =	vst v3;
	v3 =	vperm.xlane v0, v5  }
0x69: {  	[tilespmem:s0+$0x9C10] =	vst v7;
	v4 =	vperm.xlane v0, v4  }
0x6a: {  	[tilespmem:s0+$0x9C20] =	vst v3;
	v1 =	vperm.xlane v0, v1  }
0x6b: {  	[tilespmem:s0+$0x9C30] =	vst v4;
	v2 =	vperm.xlane v0, v2  }
0x6c: {  	[tilespmem:s0+$0x9C40] =	vst v1;
	v1 =	vperm.xlane v0, v6  }
0x6d: {  	[tilespmem:s0+$0x9C50] =	vst v2  }
0x6e: {  	[tilespmem:s0+$0x9C60] =	vst v1  }
0x6f: {  	[hbm4b:s8+s15] =	stream.strided.scatter [tilespmem:s26], [sflag:$0x4], $0x3000, s16, s15, $0x38;
	[tilespmem:$0xD080] =	vst v63  }
0x70: {  	s2 =	sadd.s32 $0x30000, s8;
	s1 =	simm.s32 $0x0  }
0x71: {  	[hbm4b:s2+s1] =	stream.linear.scatter [tilespmem:s28], [sflag:$0x4], $0x200, $0x38;
	[tilespmem:$0xD080] =	vst v63  }
0x72: {  	_ = 	snop  }
0x73: {  	[tilespmem:s19], [sflag:$0x2] =	stream.strided.gather [hbm4b:s9+s15], $0x3000, s16, s15, $0x38;
	[tilespmem:$0xD080] =	vst v63  }
0x74: {  	s2 =	sadd.s32 $0x30000, s9  }
0x75: {  	[tilespmem:s21], [sflag:$0x2] =	stream.linear.gather [hbm4b:s2+s1], $0x200, $0x38;
	[tilespmem:$0xD080] =	vst v63  }
0x76: {  	_ =	swait.ge [sflag:s22], $0x3200  }
0x77: {  	[sflag:s22] =	ssyncset.done $0x0  }
0x78: {  	[sflag:s22] =	ssyncadd.s32 $0xFFFFCE00  }
0x79: {  	_ =	swait.ge [sflag:s29], $0x3200  }
0x7a: {  	[sflag:s29] =	ssyncset.done $0x0  }
0x7b: {  	s1 =	simm.s32 $0x0;
	[sflag:s29] =	ssyncadd.s32 $0xFFFFCE00  }
0x7c: {  	v2 =	vld [tilespmem:s1+$0x70]  }
0x7d: {  	v6 =	vld [tilespmem:s1+$0x0]  }
0x7e: {  	v7 =	vld [tilespmem:s1+$0x10]  }
0x7f: {  	v5 =	vld [tilespmem:s1+$0x20]  }
0x80: {  	v4 =	vld [tilespmem:s1+$0x30]  }
0x81: {  	v1 =	vld [tilespmem:s1+$0x40];
	v8 =	vperm.xlane v0, v2  }
0x82: {  	v2 =	vld [tilespmem:s1+$0x50];
	v6 =	vperm.xlane v0, v6  }
0x83: {  	s0 =	simm.s32 $0x80;
	s2 =	simm.s32 $0x400;
	v3 =	vld [tilespmem:s1+$0x60];
	v7 =	vperm.xlane v0, v7;
	[tilespmem:s1+$0x6870] =	vst v8  }
.LBB2_6:
0x84: {  	p0 =	sne.s32 s2, $0xC600;
	v8 =	vld [tilespmem:s0+$0x70];
	[tilespmem:s1+$0x6800] =	vst v6;
	v5 =	vperm.xlane v0, v5  }
0x85: {  	v6 =	vld [tilespmem:s0+$0x0];
	[tilespmem:s1+$0x6810] =	vst v7;
	v4 =	vperm.xlane v0, v4  }
0x86: {  	v7 =	vld [tilespmem:s0+$0x10];
	[tilespmem:s1+$0x6820] =	vst v5;
	v1 =	vperm.xlane v0, v1  }
.Ltmp2:
0x87: {  	v5 =	vld [tilespmem:s0+$0x20];
	[tilespmem:s1+$0x6830] =	vst v4;
	v2 =	vperm.xlane v0, v2;
	(pc) =	sbr.rel @p0 .LBB2_6-.Ltmp2, $4  }
0x88: {  	v4 =	vld [tilespmem:s0+$0x30];
	[tilespmem:s1+$0x6840] =	vst v1;
	v3 =	vperm.xlane v0, v3  }
0x89: {  	v1 =	vld [tilespmem:s0+$0x40];
	v8 =	vperm.xlane v0, v8;
	[tilespmem:s1+$0x6850] =	vst v2  }
0x8a: {  	v6 =	vperm.xlane v0, v6;
	v2 =	vld [tilespmem:s0+$0x50];
	[tilespmem:s1+$0x6860] =	vst v3;
	s1 =	smov.u32 s0  }
0x8b: {  	s0 =	sshra.s32 s2, $0x2;
	s2 =	sadd.s32 $0x200, s2;
	v7 =	vperm.xlane v0, v7;
	v3 =	vld [tilespmem:s1+$0x60];
	[tilespmem:s1+$0x6870] =	vst v8  }
0x8c: {  	v8 =	vld [tilespmem:s0+$0x70];
	[tilespmem:s1+$0x6800] =	vst v6;
	v5 =	vperm.xlane v0, v5  }
0x8d: {  	v6 =	vld [tilespmem:s0+$0x0];
	[tilespmem:s1+$0x6810] =	vst v7;
	v4 =	vperm.xlane v0, v4  }
0x8e: {  	v7 =	vld [tilespmem:s0+$0x10];
	[tilespmem:s1+$0x6820] =	vst v5;
	v1 =	vperm.xlane v0, v1  }
0x8f: {  	v5 =	vld [tilespmem:s0+$0x20];
	[tilespmem:s1+$0x6830] =	vst v4;
	v2 =	vperm.xlane v0, v2  }
0x90: {  	v4 =	vld [tilespmem:s0+$0x30];
	[tilespmem:s1+$0x6840] =	vst v1;
	v3 =	vperm.xlane v0, v3  }
0x91: {  	v1 =	vld [tilespmem:s0+$0x40];
	[tilespmem:s1+$0x6850] =	vst v2;
	v8 =	vperm.xlane v0, v8  }
0x92: {  	v2 =	vld [tilespmem:s0+$0x50];
	[tilespmem:s1+$0x6860] =	vst v3;
	v3 =	vperm.xlane v0, v6  }
0x93: {  	v6 =	vld [tilespmem:s0+$0x60];
	v7 =	vperm.xlane v0, v7;
	[tilespmem:s0+$0x6870] =	vst v8  }
0x94: {  	[tilespmem:s0+$0x6800] =	vst v3;
	v3 =	vperm.xlane v0, v5  }
0x95: {  	[tilespmem:s0+$0x6810] =	vst v7;
	v4 =	vperm.xlane v0, v4  }
0x96: {  	[tilespmem:s0+$0x6820] =	vst v3;
	v1 =	vperm.xlane v0, v1  }
0x97: {  	[tilespmem:s0+$0x6830] =	vst v4;
	v2 =	vperm.xlane v0, v2  }
0x98: {  	[tilespmem:s0+$0x6840] =	vst v1;
	v1 =	vperm.xlane v0, v6  }
0x99: {  	[tilespmem:s0+$0x6850] =	vst v2  }
0x9a: {  	[tilespmem:s0+$0x6860] =	vst v1  }
0x9b: {  	[hbm4b:s10+s15] =	stream.strided.scatter [tilespmem:s23], [sflag:$0x3], $0x3000, s16, s15, $0x38;
	[tilespmem:$0xD080] =	vst v63  }
0x9c: {  	s2 =	simm.s32 $0x0;
	s1 =	sadd.s32 $0x30000, s10  }
0x9d: {  	[hbm4b:s1+s2] =	stream.linear.scatter [tilespmem:s24], [sflag:$0x3], $0x200, $0x38;
	[tilespmem:$0xD080] =	vst v63  }
0x9e: {  	_ =	swait.ge [sflag:s25], $0x3200  }
0x9f: {  	[sflag:s25] =	ssyncset.done $0x0  }
0xa0: {  	[sflag:s25] =	ssyncadd.s32 $0xFFFFCE00  }
0xa1: {  	_ =	swait.ge [sflag:s30], $0x3200  }
0xa2: {  	[sflag:s30] =	ssyncset.done $0x0  }
0xa3: {  	s1 =	simm.s32 $0x0;
	[sflag:s30] =	ssyncadd.s32 $0xFFFFCE00  }
0xa4: {  	v2 =	vld [tilespmem:s1+$0x3470]  }
0xa5: {  	v6 =	vld [tilespmem:s1+$0x3400]  }
0xa6: {  	v7 =	vld [tilespmem:s1+$0x3410]  }
0xa7: {  	v5 =	vld [tilespmem:s1+$0x3420]  }
0xa8: {  	v4 =	vld [tilespmem:s1+$0x3430]  }
0xa9: {  	v1 =	vld [tilespmem:s1+$0x3440];
	v8 =	vperm.xlane v0, v2  }
0xaa: {  	v2 =	vld [tilespmem:s1+$0x3450];
	v6 =	vperm.xlane v0, v6  }
0xab: {  	s0 =	simm.s32 $0x80;
	s2 =	simm.s32 $0x400;
	v3 =	vld [tilespmem:s1+$0x3460];
	v7 =	vperm.xlane v0, v7;
	[tilespmem:s1+$0x9C70] =	vst v8  }
.LBB2_8:
0xac: {  	p0 =	sne.s32 s2, $0xC600;
	v8 =	vld [tilespmem:s0+$0x3470];
	[tilespmem:s1+$0x9C00] =	vst v6;
	v5 =	vperm.xlane v0, v5  }
0xad: {  	v6 =	vld [tilespmem:s0+$0x3400];
	[tilespmem:s1+$0x9C10] =	vst v7;
	v4 =	vperm.xlane v0, v4  }
0xae: {  	v7 =	vld [tilespmem:s0+$0x3410];
	[tilespmem:s1+$0x9C20] =	vst v5;
	v1 =	vperm.xlane v0, v1  }
.Ltmp3:
0xaf: {  	v5 =	vld [tilespmem:s0+$0x3420];
	[tilespmem:s1+$0x9C30] =	vst v4;
	v2 =	vperm.xlane v0, v2;
	(pc) =	sbr.rel @p0 .LBB2_8-.Ltmp3, $4  }
0xb0: {  	v4 =	vld [tilespmem:s0+$0x3430];
	[tilespmem:s1+$0x9C40] =	vst v1;
	v3 =	vperm.xlane v0, v3  }
0xb1: {  	v1 =	vld [tilespmem:s0+$0x3440];
	v8 =	vperm.xlane v0, v8;
	[tilespmem:s1+$0x9C50] =	vst v2  }
0xb2: {  	v6 =	vperm.xlane v0, v6;
	v2 =	vld [tilespmem:s0+$0x3450];
	[tilespmem:s1+$0x9C60] =	vst v3;
	s1 =	smov.u32 s0  }
0xb3: {  	s0 =	sshra.s32 s2, $0x2;
	s2 =	sadd.s32 $0x200, s2;
	v7 =	vperm.xlane v0, v7;
	v3 =	vld [tilespmem:s1+$0x3460];
	[tilespmem:s1+$0x9C70] =	vst v8  }
0xb4: {  	v8 =	vld [tilespmem:s0+$0x3470];
	[tilespmem:s1+$0x9C00] =	vst v6;
	v5 =	vperm.xlane v0, v5  }
0xb5: {  	v6 =	vld [tilespmem:s0+$0x3400];
	[tilespmem:s1+$0x9C10] =	vst v7;
	v4 =	vperm.xlane v0, v4  }
0xb6: {  	v7 =	vld [tilespmem:s0+$0x3410];
	[tilespmem:s1+$0x9C20] =	vst v5;
	v1 =	vperm.xlane v0, v1  }
0xb7: {  	v5 =	vld [tilespmem:s0+$0x3420];
	[tilespmem:s1+$0x9C30] =	vst v4;
	v2 =	vperm.xlane v0, v2  }
0xb8: {  	v4 =	vld [tilespmem:s0+$0x3430];
	[tilespmem:s1+$0x9C40] =	vst v1;
	v3 =	vperm.xlane v0, v3  }
0xb9: {  	v1 =	vld [tilespmem:s0+$0x3440];
	[tilespmem:s1+$0x9C50] =	vst v2;
	v8 =	vperm.xlane v0, v8  }
0xba: {  	v2 =	vld [tilespmem:s0+$0x3450];
	[tilespmem:s1+$0x9C60] =	vst v3;
	v60 =	vperm.xlane v0, v6  }
0xbb: {  	v61 =	vld [tilespmem:s0+$0x3460];
	v7 =	vperm.xlane v0, v7;
	[tilespmem:s0+$0x9C70] =	vst v8  }
0xbc: {  	[tilespmem:s0+$0x9C00] =	vst v60;
	v62 =	vperm.xlane v0, v5  }
0xbd: {  	[tilespmem:s0+$0x9C10] =	vst v7;
	v4 =	vperm.xlane v0, v4  }
0xbe: {  	[tilespmem:s0+$0x9C20] =	vst v62;
	v1 =	vperm.xlane v0, v1  }
0xbf: {  	[tilespmem:s0+$0x9C30] =	vst v4;
	v2 =	vperm.xlane v0, v2  }
0xc0: {  	[tilespmem:s0+$0x9C40] =	vst v1;
	v63 =	vperm.xlane v0, v61  }
0xc1: {  	[tilespmem:s0+$0x9C50] =	vst v2  }
0xc2: {  	[tilespmem:s0+$0x9C60] =	vst v63  }
0xc3: {  	[hbm4b:s11+s15] =	stream.strided.scatter [tilespmem:s26], [sflag:$0x4], $0x3000, s16, s15, $0x38;
	[tilespmem:$0xD080] =	vst v63  }
0xc4: {  	s2 =	sadd.s32 $0x30000, s11;
	s31 =	sadd.s32 $0x1, s31  }
0xc5: {  	[hbm4b:s2+s3] =	stream.linear.scatter [tilespmem:s28], [sflag:$0x4], $0x200, $0x38;
	[tilespmem:$0xD080] =	vst v63  }
0xc6: {  	p0 =	sne.s32 s31, s12;
	_ =	swait.ge [sflag:s29], $0x3200  }
.Ltmp4:
0xc7: {  	[sflag:s29] =	ssyncset.done $0x0;
	(pc) =	sbr.rel @p0 .LBB2_1-.Ltmp4, $4  }
0xc8: {  	[sflag:s29] =	ssyncadd.s32 $0xFFFFCE00  }
0xc9: {  	_ =	swait.ge [sflag:s30], $0x3200  }
0xca: {  	[sflag:s30] =	ssyncset.done $0x0  }
0xcb: {  	[sflag:s30] =	ssyncadd.s32 $0xFFFFCE00  }
0xcc: {  	_ =	sfence.sel $0x180000  }
0xcd: {  	[bflag:$0x0] =	sbarrier.arrive $0xFFFF  }
0xce: {  	_ =	strace $0x90000047  }
0xcf: {  	s0 =	stileid.u32;
	[bflag:$0x2] =	sbarrier.arrive $0xFFFF  }
0xd0: {  	p0 =	sne.s32 s0, $0x0;
	s0 =	rddreg [dreg:$0x3]  }
0xd1: {  	s0 =	sadd.s32 @!p0 $0x100000, s0  }
0xd2: {  	[sflag:s0] =	ssyncadd.tile.s32 @!p0 $0x1;
	_ =	shalt  }
.Lfunc_end2:
_tile_overlayer_lowered:
.L_overlay_start_2:
0xd3: {  	(tag) =	ssettag $0x2  }
0xd4: {  	s0 =	rddreg [dreg:$0x0];
	s2 =	stileid.u32  }
0xd5: {  	s1 =	rddreg [dreg:$0x1];
	p0 =	sne.s32 s2, $0x0  }
0xd6: {  	s3 =	rddreg [dreg:$0x2];
	[bflag:$0x3] =	sbarrier.arrive $0xFFFF;
	s2 =	simm.s32 @!p0 $0x1C05  }
0xd7: {  	[timem:s3], [sflag:s2] =	dma.local @!p0 [hbm:s0], s1  }
0xd8: {  	s0 =	simm.s32 @!p0 $0x5  }
0xd9: {  	_ =	swait.ge @!p0 [sflag:s0], s1  }
0xda: {  	s1 =	ssub.s32 @!p0 $0x0, s1;
	[sflag:s0] =	ssyncset.done @!p0 $0x0  }
0xdb: {  	[sflag:s0] =	ssyncadd.s32 @!p0 s1  }
0xdc: {  	[bflag:$0x3] =	sbarrier.arrive $0xFFFF  }
0xdd: {  	_ =	shalt  }

</sc_bundles>
